<compile_context>
chip_gen: v7x
topology: tpu7x:2x2x1
jax: 0.10.2.dev20260603
libtpu: 0.0.44.dev20260713+nightly
codegen_flags: <defaults>
</compile_context>

<pallas_src>
import functools
import math

import jax
import jax.numpy as jnp
import numpy as np
from jax.experimental import pallas as pl
from jax.experimental.pallas import tpu as pltpu

_B, _S, _D, _H, _V, _FF, _NL = 2, 2048, 1024, 16, 16384, 4096, 2
_DH = _D // _H
_CF = 0.5
_AUX_COEFF = 0.01
_KCAP = max(1, math.ceil(_CF * _S))
_FFC = 1024
_NFC = _FF // _FFC


def _freqs(seq_len, dh, theta=10000.0):
    inv = 1.0 / (theta ** (np.arange(0, dh, 2, dtype=np.float64) / dh))
    t = np.arange(seq_len, dtype=np.float64)
    f = np.outer(t, inv)
    return np.cos(f), np.sin(f)


@functools.lru_cache(maxsize=None)
def _rope_tables():
    cos, sin = _freqs(_KCAP, _DH)
    lane = np.arange(_D)
    fi = (lane % _DH) // 2
    cos_big = np.asarray(cos, np.float32)[:, fi]
    sin_big = np.asarray(sin, np.float32)[:, fi]
    sign = np.where(lane % 2 == 0, -1.0, 1.0).astype(np.float32)
    sin_signed = sin_big * sign[None, :]
    perm = np.zeros((_D, _D), np.float32)
    perm[lane ^ 1, lane] = 1.0
    return cos_big, sin_signed, perm


def _rms_rows(x, w, eps=1e-6):
    return x * jax.lax.rsqrt(jnp.mean(x * x, axis=-1, keepdims=True) + eps) * w


def _qkv_kernel(sel_ref, wq_ref, wk_ref, wv_ref, n1_ref, cos_ref, sin_ref,
                perm_ref, q_ref, k_ref, v_ref):
    h = _rms_rows(sel_ref[0], n1_ref[...]).astype(jnp.bfloat16)
    d = lambda a, b: jnp.dot(a, b.astype(jnp.bfloat16),
                             preferred_element_type=jnp.float32)
    q = d(h, wq_ref[...])
    k = d(h, wk_ref[...])
    v = d(h, wv_ref[...])
    cos = cos_ref[...]
    sin = sin_ref[...]
    even = (jax.lax.broadcasted_iota(jnp.int32, (_QT, _D), 1) % 2) == 0
    swap = lambda t: jnp.where(even, pltpu.roll(t, _D - 1, 1), pltpu.roll(t, 1, 1))
    del perm_ref
    q_ref[0] = (q * cos + swap(q) * sin).astype(jnp.bfloat16)
    k_ref[0] = (k * cos + swap(k) * sin).astype(jnp.bfloat16)
    v_ref[0] = v


_QT = 512


def _qkv_call(sel, p):
    cos_big, sin_signed, perm = _rope_tables()
    full = lambda b, t: (0, 0)
    return pl.pallas_call(
        _qkv_kernel,
        grid=(_B, _KCAP // _QT),
        in_specs=[
            pl.BlockSpec((1, _QT, _D), lambda b, t: (b, t, 0)),
            pl.BlockSpec((_D, _D), full),
            pl.BlockSpec((_D, _D), full),
            pl.BlockSpec((_D, _D), full),
            pl.BlockSpec((1, _D), full),
            pl.BlockSpec((_QT, _D), lambda b, t: (t, 0)),
            pl.BlockSpec((_QT, _D), lambda b, t: (t, 0)),
            pl.BlockSpec((_D, _D), full),
        ],
        out_specs=[
            pl.BlockSpec((1, _QT, _D), lambda b, t: (b, t, 0)),
            pl.BlockSpec((1, _QT, _D), lambda b, t: (b, t, 0)),
            pl.BlockSpec((1, _QT, _D), lambda b, t: (b, t, 0)),
        ],
        out_shape=[
            jax.ShapeDtypeStruct((_B, _KCAP, _D), jnp.bfloat16),
            jax.ShapeDtypeStruct((_B, _KCAP, _D), jnp.bfloat16),
            jax.ShapeDtypeStruct((_B, _KCAP, _D), jnp.float32),
        ],
    )(sel, p['Wq'], p['Wk'], p['Wv'], p['norm1'].reshape(1, _D),
      jnp.asarray(cos_big), jnp.asarray(sin_signed), jnp.asarray(perm))


def _attn_kernel(q_ref, k_ref, v_ref, o_ref):
    q = q_ref[0]
    k = k_ref[0]
    s = jax.lax.dot_general(q, k, (((1,), (1,)), ((), ())),
                            preferred_element_type=jnp.float32)
    s = s * (1.0 / math.sqrt(_DH))
    m = jnp.max(s, axis=-1, keepdims=True)
    e = jnp.exp(s - m)
    o = jnp.dot(e.astype(jnp.bfloat16), v_ref[0].astype(jnp.bfloat16),
                preferred_element_type=jnp.float32)
    o_ref[0] = o / jnp.sum(e, axis=-1, keepdims=True)


def _attn_call(qh, kh, vh):
    return pl.pallas_call(
        _attn_kernel,
        grid=(_B * _H,),
        in_specs=[
            pl.BlockSpec((1, _KCAP, _DH), lambda i: (i, 0, 0)),
            pl.BlockSpec((1, _KCAP, _DH), lambda i: (i, 0, 0)),
            pl.BlockSpec((1, _KCAP, _DH), lambda i: (i, 0, 0)),
        ],
        out_specs=pl.BlockSpec((1, _KCAP, _DH), lambda i: (i, 0, 0)),
        out_shape=jax.ShapeDtypeStruct((_B * _H, _KCAP, _DH), jnp.float32),
    )(qh, kh, vh)


_MT = 512


def _mlp_kernel(sel_ref, o_ref, wo_ref, n2_ref, w1_ref, w2_ref, y_ref,
                x2_sc, h2_sc, acc_sc):
    c = pl.program_id(2)

    @pl.when(c == 0)
    def _init():
        x2 = sel_ref[0] + jnp.dot(o_ref[0], wo_ref[...].astype(jnp.bfloat16),
                                  preferred_element_type=jnp.float32)
        x2_sc[...] = x2
        h2_sc[...] = _rms_rows(x2, n2_ref[...])
        acc_sc[...] = x2

    u = jnp.dot(h2_sc[...].astype(jnp.bfloat16), w1_ref[...].astype(jnp.bfloat16),
                preferred_element_type=jnp.float32)
    u = (u * jax.nn.sigmoid(u)).astype(jnp.bfloat16)
    acc_sc[...] += jnp.dot(u, w2_ref[...].astype(jnp.bfloat16),
                           preferred_element_type=jnp.float32)

    @pl.when(c == _NFC - 1)
    def _fin():
        y_ref[0] = acc_sc[...]


def _mlp_call(sel, o_bf16, p):
    return pl.pallas_call(
        _mlp_kernel,
        grid=(_B, _KCAP // _MT, _NFC),
        in_specs=[
            pl.BlockSpec((1, _MT, _D), lambda b, t, c: (b, t, 0)),
            pl.BlockSpec((1, _MT, _D), lambda b, t, c: (b, t, 0)),
            pl.BlockSpec((_D, _D), lambda b, t, c: (0, 0)),
            pl.BlockSpec((1, _D), lambda b, t, c: (0, 0)),
            pl.BlockSpec((_D, _FFC), lambda b, t, c: (0, c)),
            pl.BlockSpec((_FFC, _D), lambda b, t, c: (c, 0)),
        ],
        out_specs=pl.BlockSpec((1, _MT, _D), lambda b, t, c: (b, t, 0)),
        out_shape=jax.ShapeDtypeStruct((_B, _KCAP, _D), jnp.float32),
        scratch_shapes=[
            pltpu.VMEM((_MT, _D), jnp.float32),
            pltpu.VMEM((_MT, _D), jnp.float32),
            pltpu.VMEM((_MT, _D), jnp.float32),
        ],
    )(sel, o_bf16, p['Wo'], p['norm2'].reshape(1, _D), p['W1'], p['W2'])


_LM_TM = 1024
_LM_TN = 1024


def _lm_kernel(x_ref, fn_ref, w_ref, o_ref):
    h = _rms_rows(x_ref[...], fn_ref[...])
    o_ref[...] = jnp.dot(h.astype(jnp.bfloat16), w_ref[...].astype(jnp.bfloat16),
                         preferred_element_type=jnp.float32)


def _lm_call(xf, final_norm, lm_head):
    return pl.pallas_call(
        _lm_kernel,
        grid=(_B * _S // _LM_TM, _V // _LM_TN),
        in_specs=[
            pl.BlockSpec((_LM_TM, _D), lambda m, n: (m, 0)),
            pl.BlockSpec((1, _D), lambda m, n: (0, 0)),
            pl.BlockSpec((_D, _LM_TN), lambda m, n: (0, n)),
        ],
        out_specs=pl.BlockSpec((_LM_TM, _LM_TN), lambda m, n: (m, n)),
        out_shape=jax.ShapeDtypeStruct((_B * _S, _V), jnp.float32),
    )(xf, final_norm.reshape(1, _D), lm_head)


def _loss_passthrough_kernel(l_ref, o_ref):
    o_ref[...] = l_ref[...]


def _rot_ref(x, cos, sin):
    x1 = x[..., 0::2]
    x2 = x[..., 1::2]
    c = cos[None, :, None, :]
    s = sin[None, :, None, :]
    r1 = x1 * c - x2 * s
    r2 = x1 * s + x2 * c
    return jnp.stack([r1, r2], axis=-1).reshape(x.shape)


def _qkv_jnp(sel, p):
    cosn, sinn = _freqs(_KCAP, _DH)
    cos = jnp.asarray(cosn, jnp.float32)
    sin = jnp.asarray(sinn, jnp.float32)
    h = sel * jax.lax.rsqrt(jnp.mean(sel * sel, axis=-1, keepdims=True)
                            + 1e-6) * p['norm1']
    q = (h @ p['Wq']).reshape(_B, _KCAP, _H, _DH)
    k = (h @ p['Wk']).reshape(_B, _KCAP, _H, _DH)
    v = (h @ p['Wv']).reshape(_B, _KCAP, _H, _DH)
    q = _rot_ref(q, cos, sin).astype(jnp.bfloat16).reshape(_B, _KCAP, _D)
    k = _rot_ref(k, cos, sin).astype(jnp.bfloat16).reshape(_B, _KCAP, _D)
    return q, k, v.reshape(_B, _KCAP, _D)


def _dense_block(sel, p):
    q, k, v = _qkv_jnp(sel, p)
    to_h = lambda t: (t.reshape(_B, _KCAP, _H, _DH).transpose(0, 2, 1, 3)
                      .reshape(_B * _H, _KCAP, _DH))
    o = _attn_call(to_h(q), to_h(k), to_h(v))
    o = (o.reshape(_B, _H, _KCAP, _DH).transpose(0, 2, 1, 3)
         .reshape(_B, _KCAP, _D))
    return _mlp_call(sel, o.astype(jnp.bfloat16), p)


def kernel(input_ids, embed, layers, final_norm, lm_head):
    x = embed[input_ids]
    total_aux = jnp.zeros((), x.dtype)
    for p in layers:
        scores = jnp.einsum('btd,d->bt', x, p['gate'])
        _vals, idx = jax.lax.top_k(scores, _KCAP)
        sel = jnp.take_along_axis(x, idx[:, :, None], axis=1)
        out = _dense_block(sel, p)
        x = x.at[jnp.arange(_B)[:, None], idx].set(out)
        probs = jax.nn.sigmoid(scores)
        total_aux = total_aux + jnp.mean((jnp.mean(probs, axis=1) - _CF) ** 2)
    logits = _lm_call(x.reshape(_B * _S, _D), final_norm,
                      lm_head).reshape(_B, _S, _V)
    loss_in = (_AUX_COEFF * total_aux).reshape(1, 1)
    loss = pl.pallas_call(
        _loss_passthrough_kernel,
        out_shape=jax.ShapeDtypeStruct((1, 1), jnp.float32),
    )(loss_in).reshape(())
    return loss, logits

# --- scband reference (transcript-rebuilt; emitter-appended) ---
"""Pipeline reference for scband-mo-dtransformer-wrapper-40329742909556 (READ-ONLY COPY).

The authoritative reference and input builder live on the scoring server;
editing this copy changes nothing except your own understanding.
"""

import math
import jax, jax.numpy as jnp
import numpy as np

B, S, D, H, V, FF, NL = 2, 2048, 1024, 16, 16384, 4096, 2
DH = D // H
CF = 0.5
AUX_COEFF = 0.01

def _make_freqs(seq_len, dh, theta=10000.0):
    inv = 1.0 / (theta ** (np.arange(0, dh, 2, dtype=np.float64) / dh))
    t = np.arange(seq_len, dtype=np.float64)
    f = np.outer(t, inv)
    return jnp.asarray(np.cos(f), dtype=jnp.float32), jnp.asarray(np.sin(f), dtype=jnp.float32)

def _rms(x, w, eps=1e-6):
    return x * jax.lax.rsqrt(jnp.mean(x * x, axis=-1, keepdims=True) + eps) * w

def _rot(x, cos, sin):
    x1 = x[..., 0::2]
    x2 = x[..., 1::2]
    c = cos[None, :, None, :]
    s = sin[None, :, None, :]
    r1 = x1 * c - x2 * s
    r2 = x1 * s + x2 * c
    return jnp.stack([r1, r2], axis=-1).reshape(x.shape)

def _block(x, p, cos, sin):
    Bk, T, _ = x.shape
    h = _rms(x, p['norm1'])
    q = (h @ p['Wq']).reshape(Bk, T, H, DH)
    k = (h @ p['Wk']).reshape(Bk, T, H, DH)
    v = (h @ p['Wv']).reshape(Bk, T, H, DH)
    q = _rot(q, cos[:T], sin[:T])
    k = _rot(k, cos[:T], sin[:T])
    q = q.transpose(0, 2, 1, 3)
    k = k.transpose(0, 2, 1, 3)
    v = v.transpose(0, 2, 1, 3)
    att = jnp.einsum('bhqd,bhkd->bhqk', q, k) / math.sqrt(DH)
    att = jax.nn.softmax(att, axis=-1)
    o = jnp.einsum('bhqk,bhkd->bhqd', att, v)
    o = o.transpose(0, 2, 1, 3).reshape(Bk, T, D)
    x = x + o @ p['Wo']
    h2 = _rms(x, p['norm2'])
    x = x + jax.nn.silu(h2 @ p['W1']) @ p['W2']
    return x

def _forward(input_ids, embed, layers, final_norm, lm_head):
    cos, sin = _make_freqs(S, DH)
    x = embed[input_ids]
    kcap = max(1, math.ceil(CF * S))
    total_aux = jnp.zeros((), x.dtype)
    for p in layers:
        # MoDRouter: scalar score per token, top-k selection, gather
        scores = jnp.einsum('btd,d->bt', x, p['gate'])
        _vals, idx = jax.lax.top_k(scores, kcap)
        sel = jnp.take_along_axis(x, idx[:, :, None], axis=1)
        # _TransformerBlockShim: freqs_cis[:T] with T = kcap (positions 0..k-1)
        out = _block(sel, p, cos, sin)
        # MoDLayer: scatter processed tokens back, rest identity
        x = x.at[jnp.arange(B)[:, None], idx].set(out)
        probs = jax.nn.sigmoid(scores)
        total_aux = total_aux + jnp.mean((jnp.mean(probs, axis=1) - CF) ** 2)
    x = _rms(x, final_norm)
    logits = x @ lm_head
    # base model returns None loss (no labels) -> weighted aux loss alone
    loss = AUX_COEFF * total_aux
    return loss, logits

def setup_inputs(seed: int = 0):
    key = jax.random.key(seed)
    ks = jax.random.split(key, 3 + NL * 7)
    input_ids = jax.random.randint(ks[0], (B, S), 0, V)
    sc = 0.02
    embed = sc * jax.random.normal(ks[1], (V, D), dtype=jnp.float32)
    lm_head = sc * jax.random.normal(ks[2], (D, V), dtype=jnp.float32)
    final_norm = jnp.ones((D,), jnp.float32)
    layers = []
    i = 3
    for _ in range(NL):
        p = {
            'gate': sc * jax.random.normal(ks[i], (D,), dtype=jnp.float32),
            'Wq': sc * jax.random.normal(ks[i + 1], (D, D), dtype=jnp.float32),
            'Wk': sc * jax.random.normal(ks[i + 2], (D, D), dtype=jnp.float32),
            'Wv': sc * jax.random.normal(ks[i + 3], (D, D), dtype=jnp.float32),
            'Wo': sc * jax.random.normal(ks[i + 4], (D, D), dtype=jnp.float32),
            'W1': sc * jax.random.normal(ks[i + 5], (D, FF), dtype=jnp.float32),
            'W2': sc * jax.random.normal(ks[i + 6], (FF, D), dtype=jnp.float32),
            'norm1': jnp.ones((D,), jnp.float32),
            'norm2': jnp.ones((D,), jnp.float32),
        }
        layers.append(p)
        i += 7
    return {'input_ids': input_ids, 'embed': embed, 'layers': tuple(layers), 'final_norm': final_norm, 'lm_head': lm_head}

def reference(input_ids, embed, layers, final_norm, lm_head):
    return _forward(input_ids, embed, layers, final_norm, lm_head)

if __name__ == "__main__":
    import jax
    _d = setup_inputs()
    print(jax.jit(kernel)(*tuple(_d.values())))

</pallas_src>

<mosaic_0001>
module attributes {stable_mosaic.version = 14 : i64} {
  func.func @_attn_kernel(%arg0: i32, %arg1: memref<1x1024x64xbf16, #tpu.memory_space<vmem>>, %arg2: memref<1x1024x64xbf16, #tpu.memory_space<vmem>>, %arg3: memref<1x1024x64xf32, #tpu.memory_space<vmem>>, %arg4: memref<1x1024x64xf32, #tpu.memory_space<vmem>>) attributes {dimension_semantics = [#tpu.dimension_semantics<arbitrary>], iteration_bounds = array<i64: 32>, scalar_prefetch = 0 : i64, scratch_operands = 0 : i64, tpu.core_type = #tpu.core_type<tc>, window_params = [{transform_indices = @transform_0, window_bounds = array<i64: 1, 1024, 64>}, {transform_indices = @transform_1, window_bounds = array<i64: 1, 1024, 64>}, {transform_indices = @transform_2, window_bounds = array<i64: 1, 1024, 64>}, {transform_indices = @transform_3, window_bounds = array<i64: 1, 1024, 64>}]} {
    %get3A = arith.constant 0 : index
    %get3A_0 = arith.constant 0 : index
    %get3A_1 = arith.constant 0 : index
    %get3A_2 = vector.load %arg1[%get3A, %get3A_0, %get3A_1] : memref<1x1024x64xbf16, #tpu.memory_space<vmem>>, vector<1x1024x64xbf16>
    %get3A_3 = vector.shape_cast %get3A_2 : vector<1x1024x64xbf16> to vector<1024x64xbf16>
    %get3A_4 = arith.constant 0 : index
    %get3A_5 = arith.constant 0 : index
    %get3A_6 = arith.constant 0 : index
    %get3A_7 = vector.load %arg2[%get3A_4, %get3A_5, %get3A_6] : memref<1x1024x64xbf16, #tpu.memory_space<vmem>>, vector<1x1024x64xbf16>
    %get3A_8 = vector.shape_cast %get3A_7 : vector<1x1024x64xbf16> to vector<1024x64xbf16>
    %dot_general3A = arith.constant dense<0.000000e+00> : vector<1024x1024xf32>
    %dot_general3A_9 = tpu.matmul %get3A_3, %get3A_8, %dot_general3A {dimension_numbers = #tpu.dot_dimension_numbers<[1], [1], [0], [0], [0, 0, 1, 0], [], []>, transpose_lhs_hint = false} : vector<1024x64xbf16>, vector<1024x64xbf16>, vector<1024x1024xf32> -> vector<1024x1024xf32>
    %mul3A = arith.constant 1.250000e-01 : f32
    %mul3A_10 = vector.broadcast %mul3A : f32 to vector<1024x1024xf32>
    %mul3A_11 = arith.mulf %dot_general3A_9, %mul3A_10 : vector<1024x1024xf32>
    %reduce_max3A = arith.constant dense<0xFF800000> : vector<1024xf32>
    %reduce_max3A_12 = vector.multi_reduction <maximumf>, %mul3A_11, %reduce_max3A [1] : vector<1024x1024xf32> to vector<1024xf32>
    %broadcast_in_dim3A = vector.shape_cast %reduce_max3A_12 : vector<1024xf32> to vector<1024x1xf32>
    %sub3A = vector.broadcast %broadcast_in_dim3A : vector<1024x1xf32> to vector<1024x1024xf32>
    %sub3A_13 = arith.subf %mul3A_11, %sub3A : vector<1024x1024xf32>
    %exp3A = math.exp %sub3A_13 : vector<1024x1024xf32>
    %convert_element_type3A = arith.truncf %exp3A : vector<1024x1024xf32> to vector<1024x1024xbf16>
    %get3A_14 = arith.constant 0 : index
    %get3A_15 = arith.constant 0 : index
    %get3A_16 = arith.constant 0 : index
    %get3A_17 = vector.load %arg3[%get3A_14, %get3A_15, %get3A_16] : memref<1x1024x64xf32, #tpu.memory_space<vmem>>, vector<1x1024x64xf32>
    %get3A_18 = vector.shape_cast %get3A_17 : vector<1x1024x64xf32> to vector<1024x64xf32>
    %convert_element_type3A_19 = arith.truncf %get3A_18 : vector<1024x64xf32> to vector<1024x64xbf16>
    %dot_general3A_20 = arith.constant dense<0.000000e+00> : vector<1024x64xf32>
    %dot_general3A_21 = tpu.matmul %convert_element_type3A, %convert_element_type3A_19, %dot_general3A_20 {dimension_numbers = #tpu.dot_dimension_numbers<[1], [0], [0], [1], [0, 0, 1, 1], [], []>, transpose_lhs_hint = false} : vector<1024x1024xbf16>, vector<1024x64xbf16>, vector<1024x64xf32> -> vector<1024x64xf32>
    %reduce_sum3A = arith.constant dense<0.000000e+00> : vector<1024xf32>
    %reduce_sum3A_22 = vector.multi_reduction <add>, %exp3A, %reduce_sum3A [1] : vector<1024x1024xf32> to vector<1024xf32>
    %broadcast_in_dim3A_23 = vector.shape_cast %reduce_sum3A_22 : vector<1024xf32> to vector<1024x1xf32>
    %div3A = vector.broadcast %broadcast_in_dim3A_23 : vector<1024x1xf32> to vector<1024x64xf32>
    %div3A_24 = arith.divf %dot_general3A_21, %div3A : vector<1024x64xf32>
    %swap3A = arith.constant 0 : index
    %swap3A_25 = arith.constant 0 : index
    %swap3A_26 = arith.constant 0 : index
    %swap3A_27 = vector.load %arg4[%swap3A, %swap3A_25, %swap3A_26] : memref<1x1024x64xf32, #tpu.memory_space<vmem>>, vector<1x1024x64xf32>
    %swap3A_28 = vector.shape_cast %swap3A_27 : vector<1x1024x64xf32> to vector<1024x64xf32>
    %swap3A_29 = vector.shape_cast %div3A_24 : vector<1024x64xf32> to vector<1x1024x64xf32>
    tpu.vector_store %arg4[%swap3A, %swap3A_25, %swap3A_26], %swap3A_29 {strides = array<i32>} : memref<1x1024x64xf32, #tpu.memory_space<vmem>>, vector<1x1024x64xf32>,
    return
  }
  func.func @transform_0(%arg0: i32) -> (i32, i32, i32) {
    %c0_i32 = arith.constant 0 : i32
    %c0_i32_0 = arith.constant 0 : i32
    %c0_i32_1 = arith.constant 0 : i32
    return %arg0, %c0_i32, %c0_i32_0 : i32, i32, i32
  }
  func.func @transform_1(%arg0: i32) -> (i32, i32, i32) {
    %c0_i32 = arith.constant 0 : i32
    %c0_i32_0 = arith.constant 0 : i32
    %c0_i32_1 = arith.constant 0 : i32
    return %arg0, %c0_i32, %c0_i32_0 : i32, i32, i32
  }
  func.func @transform_2(%arg0: i32) -> (i32, i32, i32) {
    %c0_i32 = arith.constant 0 : i32
    %c0_i32_0 = arith.constant 0 : i32
    %c0_i32_1 = arith.constant 0 : i32
    return %arg0, %c0_i32, %c0_i32_0 : i32, i32, i32
  }
  func.func @transform_3(%arg0: i32) -> (i32, i32, i32) {
    %c0_i32 = arith.constant 0 : i32
    %c0_i32_0 = arith.constant 0 : i32
    %c0_i32_1 = arith.constant 0 : i32
    return %arg0, %c0_i32, %c0_i32_0 : i32, i32, i32
  }
}

module attributes {stable_mosaic.version = 14 : i64} {
  func.func @_mlp_kernel(%arg0: i32, %arg1: i32, %arg2: i32, %arg3: memref<1x512x1024xf32, #tpu.memory_space<vmem>>, %arg4: memref<1x512x1024xbf16, #tpu.memory_space<vmem>>, %arg5: memref<1024x1024xf32, #tpu.memory_space<vmem>>, %arg6: memref<1x1024xf32, #tpu.memory_space<vmem>>, %arg7: memref<1024x1024xf32, #tpu.memory_space<vmem>>, %arg8: memref<1024x1024xf32, #tpu.memory_space<vmem>>, %arg9: memref<1x512x1024xf32, #tpu.memory_space<vmem>>, %arg10: memref<512x1024xf32, #tpu.memory_space<vmem>>, %arg11: memref<512x1024xf32, #tpu.memory_space<vmem>>, %arg12: memref<512x1024xf32, #tpu.memory_space<vmem>>) attributes {dimension_semantics = [#tpu.dimension_semantics<arbitrary>, #tpu.dimension_semantics<arbitrary>, #tpu.dimension_semantics<arbitrary>], iteration_bounds = array<i64: 2, 2, 4>, scalar_prefetch = 0 : i64, scratch_operands = 3 : i64, tpu.core_type = #tpu.core_type<tc>, window_params = [{transform_indices = @transform_0, window_bounds = array<i64: 1, 512, 1024>}, {transform_indices = @transform_1, window_bounds = array<i64: 1, 512, 1024>}, {pipeline_mode = #tpu.pipeline_mode<synchronous>, transform_indices = @transform_2, window_bounds = array<i64: 1024, 1024>}, {pipeline_mode = #tpu.pipeline_mode<synchronous>, transform_indices = @transform_3, window_bounds = array<i64: 1, 1024>}, {transform_indices = @transform_4, window_bounds = array<i64: 1024, 1024>}, {transform_indices = @transform_5, window_bounds = array<i64: 1024, 1024>}, {transform_indices = @transform_6, window_bounds = array<i64: 1, 512, 1024>}]} {
    %eq3A = arith.constant 0 : i32
    %eq3A_0 = arith.cmpi eq, %arg2, %eq3A : i32
    %convert_element_type3A = arith.extui %eq3A_0 : i1 to i32
    %cond3A = arith.constant 0 : i32
    %cond3A_1 = arith.cmpi ne, %convert_element_type3A, %cond3A : i32
    scf.if %cond3A_1 {
      %get3A_32 = arith.constant 0 : index
      %get3A_33 = arith.constant 0 : index
      %get3A_34 = arith.constant 0 : index
      %get3A_35 = vector.load %arg3[%get3A_32, %get3A_33, %get3A_34] : memref<1x512x1024xf32, #tpu.memory_space<vmem>>, vector<1x512x1024xf32>
      %get3A_36 = vector.shape_cast %get3A_35 : vector<1x512x1024xf32> to vector<512x1024xf32>
      %get3A_37 = arith.constant 0 : index
      %get3A_38 = arith.constant 0 : index
      %get3A_39 = arith.constant 0 : index
      %get3A_40 = vector.load %arg4[%get3A_37, %get3A_38, %get3A_39] : memref<1x512x1024xbf16, #tpu.memory_space<vmem>>, vector<1x512x1024xbf16>
      %get3A_41 = vector.shape_cast %get3A_40 : vector<1x512x1024xbf16> to vector<512x1024xbf16>
      %get3A_42 = arith.constant 0 : index
      %get3A_43 = arith.constant 0 : index
      %get3A_44 = vector.load %arg5[%get3A_42, %get3A_43] : memref<1024x1024xf32, #tpu.memory_space<vmem>>, vector<1024x1024xf32>
      %convert_element_type3A_45 = arith.truncf %get3A_44 : vector<1024x1024xf32> to vector<1024x1024xbf16>
      %dot_general3A_46 = arith.constant dense<0.000000e+00> : vector<512x1024xf32>
      %dot_general3A_47 = tpu.matmul %get3A_41, %convert_element_type3A_45, %dot_general3A_46 {dimension_numbers = #tpu.dot_dimension_numbers<[1], [0], [0], [1], [0, 0, 1, 1], [], []>, transpose_lhs_hint = false} : vector<512x1024xbf16>, vector<1024x1024xbf16>, vector<512x1024xf32> -> vector<512x1024xf32>
      %add3A_48 = arith.addf %get3A_36, %dot_general3A_47 : vector<512x1024xf32>
      %swap3A_49 = arith.constant 0 : index
      %swap3A_50 = arith.constant 0 : index
      %swap3A_51 = vector.load %arg10[%swap3A_49, %swap3A_50] : memref<512x1024xf32, #tpu.memory_space<vmem>>, vector<512x1024xf32>
      tpu.vector_store %arg10[%swap3A_49, %swap3A_50], %add3A_48 {strides = array<i32>} : memref<512x1024xf32, #tpu.memory_space<vmem>>, vector<512x1024xf32>,
      %get3A_52 = arith.constant 0 : index
      %get3A_53 = arith.constant 0 : index
      %get3A_54 = vector.load %arg6[%get3A_52, %get3A_53] : memref<1x1024xf32, #tpu.memory_space<vmem>>, vector<1x1024xf32>
      %mul3A_55 = arith.mulf %add3A_48, %add3A_48 : vector<512x1024xf32>
      %reduce_sum3A = arith.constant dense<0.000000e+00> : vector<512xf32>
      %reduce_sum3A_56 = vector.multi_reduction <add>, %mul3A_55, %reduce_sum3A [1] : vector<512x1024xf32> to vector<512xf32>
      %broadcast_in_dim3A = vector.shape_cast %reduce_sum3A_56 : vector<512xf32> to vector<512x1xf32>
      %div3A = arith.constant 1.024000e+03 : f32
      %div3A_57 = vector.broadcast %div3A : f32 to vector<512x1xf32>
      %div3A_58 = arith.divf %broadcast_in_dim3A, %div3A_57 : vector<512x1xf32>
      %add3A_59 = arith.constant 9.99999997E-7 : f32
      %add3A_60 = vector.broadcast %add3A_59 : f32 to vector<512x1xf32>
      %add3A_61 = arith.addf %div3A_58, %add3A_60 : vector<512x1xf32>
      %rsqrt3A = math.rsqrt %add3A_61 : vector<512x1xf32>
      %mul3A_62 = vector.broadcast %rsqrt3A : vector<512x1xf32> to vector<512x1024xf32>
      %mul3A_63 = arith.mulf %add3A_48, %mul3A_62 : vector<512x1024xf32>
      %mul3A_64 = vector.broadcast %get3A_54 : vector<1x1024xf32> to vector<512x1024xf32>
      %mul3A_65 = arith.mulf %mul3A_63, %mul3A_64 : vector<512x1024xf32>
      %swap3A_66 = arith.constant 0 : index
      %swap3A_67 = arith.constant 0 : index
      %swap3A_68 = vector.load %arg11[%swap3A_66, %swap3A_67] : memref<512x1024xf32, #tpu.memory_space<vmem>>, vector<512x1024xf32>
      tpu.vector_store %arg11[%swap3A_66, %swap3A_67], %mul3A_65 {strides = array<i32>} : memref<512x1024xf32, #tpu.memory_space<vmem>>, vector<512x1024xf32>,
      %swap3A_69 = arith.constant 0 : index
      %swap3A_70 = arith.constant 0 : index
      %swap3A_71 = vector.load %arg12[%swap3A_69, %swap3A_70] : memref<512x1024xf32, #tpu.memory_space<vmem>>, vector<512x1024xf32>
      tpu.vector_store %arg12[%swap3A_69, %swap3A_70], %add3A_48 {strides = array<i32>} : memref<512x1024xf32, #tpu.memory_space<vmem>>, vector<512x1024xf32>,
    } else {
    }
    %get3A = arith.constant 0 : index
    %get3A_2 = arith.constant 0 : index
    %get3A_3 = vector.load %arg11[%get3A, %get3A_2] : memref<512x1024xf32, #tpu.memory_space<vmem>>, vector<512x1024xf32>
    %convert_element_type3A_4 = arith.truncf %get3A_3 : vector<512x1024xf32> to vector<512x1024xbf16>
    %get3A_5 = arith.constant 0 : index
    %get3A_6 = arith.constant 0 : index
    %get3A_7 = vector.load %arg7[%get3A_5, %get3A_6] : memref<1024x1024xf32, #tpu.memory_space<vmem>>, vector<1024x1024xf32>
    %convert_element_type3A_8 = arith.truncf %get3A_7 : vector<1024x1024xf32> to vector<1024x1024xbf16>
    %dot_general3A = arith.constant dense<0.000000e+00> : vector<512x1024xf32>
    %dot_general3A_9 = tpu.matmul %convert_element_type3A_4, %convert_element_type3A_8, %dot_general3A {dimension_numbers = #tpu.dot_dimension_numbers<[1], [0], [0], [1], [0, 0, 1, 1], [], []>, transpose_lhs_hint = false} : vector<512x1024xbf16>, vector<1024x1024xbf16>, vector<512x1024xf32> -> vector<512x1024xf32>
    %logistic3A = arith.negf %dot_general3A_9 : vector<512x1024xf32>
    %logistic3A_10 = math.exp %logistic3A : vector<512x1024xf32>
    %logistic3A_11 = arith.constant 1.000000e+00 : f32
    %logistic3A_12 = vector.broadcast %logistic3A_11 : f32 to vector<512x1024xf32>
    %logistic3A_13 = arith.addf %logistic3A_12, %logistic3A_10 : vector<512x1024xf32>
    %logistic3A_14 = arith.divf %logistic3A_12, %logistic3A_13 : vector<512x1024xf32>
    %mul3A = arith.mulf %dot_general3A_9, %logistic3A_14 : vector<512x1024xf32>
    %convert_element_type3A_15 = arith.truncf %mul3A : vector<512x1024xf32> to vector<512x1024xbf16>
    %get3A_16 = arith.constant 0 : index
    %get3A_17 = arith.constant 0 : index
    %get3A_18 = vector.load %arg12[%get3A_16, %get3A_17] : memref<512x1024xf32, #tpu.memory_space<vmem>>, vector<512x1024xf32>
    %get3A_19 = arith.constant 0 : index
    %get3A_20 = arith.constant 0 : index
    %get3A_21 = vector.load %arg8[%get3A_19, %get3A_20] : memref<1024x1024xf32, #tpu.memory_space<vmem>>, vector<1024x1024xf32>
    %convert_element_type3A_22 = arith.truncf %get3A_21 : vector<1024x1024xf32> to vector<1024x1024xbf16>
    %dot_general3A_23 = arith.constant dense<0.000000e+00> : vector<512x1024xf32>
    %dot_general3A_24 = tpu.matmul %convert_element_type3A_15, %convert_element_type3A_22, %dot_general3A_23 {dimension_numbers = #tpu.dot_dimension_numbers<[1], [0], [0], [1], [0, 0, 1, 1], [], []>, transpose_lhs_hint = false} : vector<512x1024xbf16>, vector<1024x1024xbf16>, vector<512x1024xf32> -> vector<512x1024xf32>
    %add3A = arith.addf %get3A_18, %dot_general3A_24 : vector<512x1024xf32>
    %swap3A = arith.constant 0 : index
    %swap3A_25 = arith.constant 0 : index
    %swap3A_26 = vector.load %arg12[%swap3A, %swap3A_25] : memref<512x1024xf32, #tpu.memory_space<vmem>>, vector<512x1024xf32>
    tpu.vector_store %arg12[%swap3A, %swap3A_25], %add3A {strides = array<i32>} : memref<512x1024xf32, #tpu.memory_space<vmem>>, vector<512x1024xf32>,
    %eq3A_27 = arith.constant 3 : i32
    %eq3A_28 = arith.cmpi eq, %arg2, %eq3A_27 : i32
    %convert_element_type3A_29 = arith.extui %eq3A_28 : i1 to i32
    %cond3A_30 = arith.constant 0 : i32
    %cond3A_31 = arith.cmpi ne, %convert_element_type3A_29, %cond3A_30 : i32
    scf.if %cond3A_31 {
      %get3A_32 = arith.constant 0 : index
      %get3A_33 = arith.constant 0 : index
      %get3A_34 = vector.load %arg12[%get3A_32, %get3A_33] : memref<512x1024xf32, #tpu.memory_space<vmem>>, vector<512x1024xf32>
      %swap3A_35 = arith.constant 0 : index
      %swap3A_36 = arith.constant 0 : index
      %swap3A_37 = arith.constant 0 : index
      %swap3A_38 = vector.load %arg9[%swap3A_35, %swap3A_36, %swap3A_37] : memref<1x512x1024xf32, #tpu.memory_space<vmem>>, vector<1x512x1024xf32>
      %swap3A_39 = vector.shape_cast %swap3A_38 : vector<1x512x1024xf32> to vector<512x1024xf32>
      %swap3A_40 = vector.shape_cast %get3A_34 : vector<512x1024xf32> to vector<1x512x1024xf32>
      tpu.vector_store %arg9[%swap3A_35, %swap3A_36, %swap3A_37], %swap3A_40 {strides = array<i32>} : memref<1x512x1024xf32, #tpu.memory_space<vmem>>, vector<1x512x1024xf32>,
    } else {
    }
    return
  }
  func.func @transform_0(%arg0: i32, %arg1: i32, %arg2: i32) -> (i32, i32, i32) {
    %c0_i32 = arith.constant 0 : i32
    %c0_i32_0 = arith.constant 0 : i32
    return %arg0, %arg1, %c0_i32 : i32, i32, i32
  }
  func.func @transform_1(%arg0: i32, %arg1: i32, %arg2: i32) -> (i32, i32, i32) {
    %c0_i32 = arith.constant 0 : i32
    %c0_i32_0 = arith.constant 0 : i32
    return %arg0, %arg1, %c0_i32 : i32, i32, i32
  }
  func.func @transform_2(%arg0: i32, %arg1: i32, %arg2: i32) -> (i32, i32) {
    %c0_i32 = arith.constant 0 : i32
    %c0_i32_0 = arith.constant 0 : i32
    %c0_i32_1 = arith.constant 0 : i32
    return %c0_i32, %c0_i32_0 : i32, i32
  }
  func.func @transform_3(%arg0: i32, %arg1: i32, %arg2: i32) -> (i32, i32) {
    %c0_i32 = arith.constant 0 : i32
    %c0_i32_0 = arith.constant 0 : i32
    %c0_i32_1 = arith.constant 0 : i32
    return %c0_i32, %c0_i32_0 : i32, i32
  }
  func.func @transform_4(%arg0: i32, %arg1: i32, %arg2: i32) -> (i32, i32) {
    %c0_i32 = arith.constant 0 : i32
    %c0_i32_0 = arith.constant 0 : i32
    return %c0_i32, %arg2 : i32, i32
  }
  func.func @transform_5(%arg0: i32, %arg1: i32, %arg2: i32) -> (i32, i32) {
    %c0_i32 = arith.constant 0 : i32
    %c0_i32_0 = arith.constant 0 : i32
    return %arg2, %c0_i32 : i32, i32
  }
  func.func @transform_6(%arg0: i32, %arg1: i32, %arg2: i32) -> (i32, i32, i32) {
    %c0_i32 = arith.constant 0 : i32
    %c0_i32_0 = arith.constant 0 : i32
    return %arg0, %arg1, %c0_i32 : i32, i32, i32
  }
}

module attributes {stable_mosaic.version = 14 : i64} {
  func.func @_loss_passthrough_kernel(%arg0: memref<1x1xf32, #tpu.memory_space<vmem>>, %arg1: memref<1x1xf32, #tpu.memory_space<vmem>>) attributes {dimension_semantics = [], scalar_prefetch = 0 : i64, scratch_operands = 0 : i64, tpu.core_type = #tpu.core_type<tc>} {
    %get3A = arith.constant 0 : index
    %get3A_0 = arith.constant 0 : index
    %get3A_1 = vector.load %arg0[%get3A, %get3A_0] : memref<1x1xf32, #tpu.memory_space<vmem>>, vector<1x1xf32>
    %swap3A = arith.constant 0 : index
    %swap3A_2 = arith.constant 0 : index
    %swap3A_3 = vector.load %arg1[%swap3A, %swap3A_2] : memref<1x1xf32, #tpu.memory_space<vmem>>, vector<1x1xf32>
    tpu.vector_store %arg1[%swap3A, %swap3A_2], %get3A_1 {strides = array<i32>} : memref<1x1xf32, #tpu.memory_space<vmem>>, vector<1x1xf32>,
    return
  }
}

module attributes {stable_mosaic.version = 14 : i64} {
  func.func @_lm_kernel(%arg0: i32, %arg1: i32, %arg2: memref<1024x1024xf32, #tpu.memory_space<vmem>>, %arg3: memref<1x1024xf32, #tpu.memory_space<vmem>>, %arg4: memref<1024x1024xf32, #tpu.memory_space<vmem>>, %arg5: memref<1024x1024xf32, #tpu.memory_space<vmem>>) attributes {dimension_semantics = [#tpu.dimension_semantics<arbitrary>, #tpu.dimension_semantics<arbitrary>], iteration_bounds = array<i64: 4, 16>, scalar_prefetch = 0 : i64, scratch_operands = 0 : i64, tpu.core_type = #tpu.core_type<tc>, window_params = [{transform_indices = @transform_0, window_bounds = array<i64: 1024, 1024>}, {pipeline_mode = #tpu.pipeline_mode<synchronous>, transform_indices = @transform_1, window_bounds = array<i64: 1, 1024>}, {transform_indices = @transform_2, window_bounds = array<i64: 1024, 1024>}, {transform_indices = @transform_3, window_bounds = array<i64: 1024, 1024>}]} {
    %get3A = arith.constant 0 : index
    %get3A_0 = arith.constant 0 : index
    %get3A_1 = vector.load %arg2[%get3A, %get3A_0] : memref<1024x1024xf32, #tpu.memory_space<vmem>>, vector<1024x1024xf32>
    %get3A_2 = arith.constant 0 : index
    %get3A_3 = arith.constant 0 : index
    %get3A_4 = vector.load %arg3[%get3A_2, %get3A_3] : memref<1x1024xf32, #tpu.memory_space<vmem>>, vector<1x1024xf32>
    %mul3A = arith.mulf %get3A_1, %get3A_1 : vector<1024x1024xf32>
    %reduce_sum3A = arith.constant dense<0.000000e+00> : vector<1024xf32>
    %reduce_sum3A_5 = vector.multi_reduction <add>, %mul3A, %reduce_sum3A [1] : vector<1024x1024xf32> to vector<1024xf32>
    %broadcast_in_dim3A = vector.shape_cast %reduce_sum3A_5 : vector<1024xf32> to vector<1024x1xf32>
    %div3A = arith.constant 1.024000e+03 : f32
    %div3A_6 = vector.broadcast %div3A : f32 to vector<1024x1xf32>
    %div3A_7 = arith.divf %broadcast_in_dim3A, %div3A_6 : vector<1024x1xf32>
    %add3A = arith.constant 9.99999997E-7 : f32
    %add3A_8 = vector.broadcast %add3A : f32 to vector<1024x1xf32>
    %add3A_9 = arith.addf %div3A_7, %add3A_8 : vector<1024x1xf32>
    %rsqrt3A = math.rsqrt %add3A_9 : vector<1024x1xf32>
    %mul3A_10 = vector.broadcast %rsqrt3A : vector<1024x1xf32> to vector<1024x1024xf32>
    %mul3A_11 = arith.mulf %get3A_1, %mul3A_10 : vector<1024x1024xf32>
    %mul3A_12 = vector.broadcast %get3A_4 : vector<1x1024xf32> to vector<1024x1024xf32>
    %mul3A_13 = arith.mulf %mul3A_11, %mul3A_12 : vector<1024x1024xf32>
    %convert_element_type3A = arith.truncf %mul3A_13 : vector<1024x1024xf32> to vector<1024x1024xbf16>
    %get3A_14 = arith.constant 0 : index
    %get3A_15 = arith.constant 0 : index
    %get3A_16 = vector.load %arg4[%get3A_14, %get3A_15] : memref<1024x1024xf32, #tpu.memory_space<vmem>>, vector<1024x1024xf32>
    %convert_element_type3A_17 = arith.truncf %get3A_16 : vector<1024x1024xf32> to vector<1024x1024xbf16>
    %dot_general3A = arith.constant dense<0.000000e+00> : vector<1024x1024xf32>
    %dot_general3A_18 = tpu.matmul %convert_element_type3A, %convert_element_type3A_17, %dot_general3A {dimension_numbers = #tpu.dot_dimension_numbers<[1], [0], [0], [1], [0, 0, 1, 1], [], []>, transpose_lhs_hint = false} : vector<1024x1024xbf16>, vector<1024x1024xbf16>, vector<1024x1024xf32> -> vector<1024x1024xf32>
    %swap3A = arith.constant 0 : index
    %swap3A_19 = arith.constant 0 : index
    %swap3A_20 = vector.load %arg5[%swap3A, %swap3A_19] : memref<1024x1024xf32, #tpu.memory_space<vmem>>, vector<1024x1024xf32>
    tpu.vector_store %arg5[%swap3A, %swap3A_19], %dot_general3A_18 {strides = array<i32>} : memref<1024x1024xf32, #tpu.memory_space<vmem>>, vector<1024x1024xf32>,
    return
  }
  func.func @transform_0(%arg0: i32, %arg1: i32) -> (i32, i32) {
    %c0_i32 = arith.constant 0 : i32
    %c0_i32_0 = arith.constant 0 : i32
    return %arg0, %c0_i32 : i32, i32
  }
  func.func @transform_1(%arg0: i32, %arg1: i32) -> (i32, i32) {
    %c0_i32 = arith.constant 0 : i32
    %c0_i32_0 = arith.constant 0 : i32
    %c0_i32_1 = arith.constant 0 : i32
    return %c0_i32, %c0_i32_0 : i32, i32
  }
  func.func @transform_2(%arg0: i32, %arg1: i32) -> (i32, i32) {
    %c0_i32 = arith.constant 0 : i32
    %c0_i32_0 = arith.constant 0 : i32
    return %c0_i32, %arg1 : i32, i32
  }
  func.func @transform_3(%arg0: i32, %arg1: i32) -> (i32, i32) {
    %c0_i32 = arith.constant 0 : i32
    return %arg0, %arg1 : i32, i32
  }
}

</mosaic_0001>

<sc_bundles>
// kernel: gather_offload_async_start.1
scs
__scs_entry_jumppad:
0x0: {  	(pc) =	sbr.rel $0x88, $3  }
0x1: {  	(tag) =	ssettag $0x0;
	lr =	simm.s32 $0x1  }
0x2: {  	[smem:$0x3F8B] =	sst lr;
	_ =	strace $0xD0000000  }
0x3: {  	_ = 	snop  }
0x4: {  	_ = 	snop  }
0x5: {  	_ = 	snop  }
0x6: {  	_ = 	snop  }
0x7: {  	_ = 	snop  }
__scs_overlays_trampoline_lowered:
0x8: {  	[smem:$0x3F9A] =	sst s0  }
0x9: {  	[smem:$0x3F9B] =	sst s1  }
0xa: {  	[smem:$0x3F9C] =	sst s2  }
0xb: {  	[smem:$0x3F9D] =	sst s3  }
0xc: {  	[smem:$0x3F9E] =	sst s4  }
0xd: {  	[smem:$0x3F9F] =	sst s5  }
0xe: {  	[smem:$0x3FA0] =	sst s6  }
0xf: {  	[smem:$0x3FA1] =	sst s7  }
0x10: {  	[smem:$0x3FA2] =	sst s8  }
0x11: {  	[smem:$0x3FA3] =	sst s9;
	s0 =	simm.s32 @!p0 $0x0  }
0x12: {  	s1 =	sld [smem:$0x3F89];
	s0 =	simm.s32 @p0 $0x1  }
0x13: {  	[smem:$0x3FA4] =	sst s0;
	s0 =	simm.s32 @!p1 $0x0  }
0x14: {  	s2 =	sld [smem:$0x3F88];
	s0 =	simm.s32 @p1 $0x1  }
0x15: {  	[smem:$0x3FA5] =	sst s0;
	s0 =	simm.s32 @!p2 $0x0  }
0x16: {  	s3 =	sld [smem:$0x3FDB];
	s0 =	simm.s32 @p2 $0x1  }
0x17: {  	s4 =	simm.s32 $0x1BF5;
	[smem:$0x3FA7] =	sst s0  }
0x18: {  	s0 =	sld [smem:$0x3F8A];
	_ =	swait.ge [sflag:s4], $0x0  }
0x19: {  	s7 =	sld [smem:$0x3F8B]  }
0x1a: {  	s8 =	sadd.s32 $0xFFFFE003, lr  }
0x1b: {  	s9 =	sadd.s32 $0xFFFFFEF7, lr;
	s5 =	simm.s32 $0xFFFFFFFF;
	p2 =	slt.u32 s8, $0xFFFFF086  }
0x1c: {  	p1 =	slt.u32 s9, $0xF7A;
	s5 =	simm.s32 @!p2 $0x0  }
0x1d: {  	s5 =	simm.s32 @p1 $0x1;
	p0 =	seq.s32 s7, s2  }
0x1e: {  	s7 =	smul.u32 @!p0 $0xF7A, s2;
	p2 =	seq.s32 @!p0 s5, $0x0  }
0x1f: {  	s9 =	smul.u32 $0xF7A, s1;
	s8 =	simm.s32 @!p0 $0x1BF5;
	p2 =	por !p2, p0  }
0x20: {  	[sflag:s8] =	ssyncset.s32 @!p0 $0xFFFFF086;
	s6 =	sadd.s32 @!p0 s3, s7;
	s7 =	simm.s32 @!p0 $0x108  }
0x21: {  	s3 =	sadd.s32 s3, s9;
	s6 =	sadd.s32 @!p0 $0x88, s6;
	s7 =	simm.s32 @p2 $0x1082  }
0x22: {  	[simem:s7], [sflag:s8] =	dma.local @!p0 [hbm:s6], $0xF7A  }
0x23: {  	s9 =	sor.u32 $0xD0000000, s2;
	s6 =	simm.s32 $0x108;
	_ =	swait.ge @!p0 [sflag:s8], $0x0  }
0x24: {  	s3 =	sadd.s32 $0x88, s3;
	s6 =	simm.s32 @!p1 $0x1082;
	[sflag:s4] =	ssyncset.s32 $0xFFFFF086  }
0x25: {  	[simem:s6], [sflag:s4] =	dma.local [hbm:s3], $0xF7A  }
0x26: {  	[smem:$0x3F8B] =	sst s1;
	(tag) =	ssettag s2;
	_ =	strace s9  }
0x27: {  	s1 =	sld [smem:$0x3F9B]  }
0x28: {  	s2 =	sld [smem:$0x3F9C]  }
0x29: {  	s4 =	sld [smem:$0x3F9E]  }
0x2a: {  	p0 =	seq.s32 s5, $0x0;
	s5 =	sld [smem:$0x3F9F]  }
0x2b: {  	s6 =	sld [smem:$0x3FA0]  }
0x2c: {  	s7 =	sld [smem:$0x3FA1]  }
0x2d: {  	s3 =	simm.s32 $0x108;
	s8 =	sld [smem:$0x3FA2]  }
0x2e: {  	s3 =	simm.s32 @!p0 $0x1082;
	s9 =	sld [smem:$0x3FA3]  }
0x2f: {  	lr =	sadd.s32 s0, s3;
	s0 =	sld [smem:$0x3F9A]  }
0x30: {  	s3 =	sld [smem:$0x3F9D]  }
0x31: {  	[smem:$0x3FA6] =	sst s10  }
0x32: {  	s10 =	sld [smem:$0x3FA4];
	_ =	sdelay $0x3  }
0x33: {  	p0 =	seq.s32 s10, $0x1;
	s10 =	sld [smem:$0x3FA6];
	_ =	sdelay $0x3  }
0x34: {  	[smem:$0x3FA6] =	sst s10  }
0x35: {  	s10 =	sld [smem:$0x3FA5];
	_ =	sdelay $0x3  }
0x36: {  	p1 =	seq.s32 s10, $0x1;
	s10 =	sld [smem:$0x3FA6];
	_ =	sdelay $0x3  }
0x37: {  	[smem:$0x3FA6] =	sst s10  }
0x38: {  	s10 =	sld [smem:$0x3FA7]  }
0x39: {  	_ = 	snop;
	(pc) =	sbr.ind lr, $3  }
0x3a: {  	_ = 	snop  }
0x3b: {  	_ = 	snop  }
0x3c: {  	p2 =	seq.s32 s10, $0x1;
	s10 =	sld [smem:$0x3FA6]  }
0x3d: {  	_ =	shalt  }
0x3e: {  	_ =	shalt  }
0x3f: {  	_ =	shalt  }
0x40: {  	_ =	shalt  }
0x41: {  	_ =	shalt  }
0x42: {  	_ =	shalt  }
0x43: {  	_ =	shalt  }
0x44: {  	_ =	shalt  }
0x45: {  	_ =	shalt  }
0x46: {  	_ =	shalt  }
0x47: {  	_ =	shalt  }
0x48: {  	_ =	shalt  }
0x49: {  	_ =	shalt  }
0x4a: {  	_ =	shalt  }
0x4b: {  	_ =	shalt  }
0x4c: {  	_ =	shalt  }
0x4d: {  	_ =	shalt  }
0x4e: {  	_ =	shalt  }
0x4f: {  	_ =	shalt  }
0x50: {  	_ =	shalt  }
0x51: {  	_ =	shalt  }
0x52: {  	_ =	shalt  }
0x53: {  	_ =	shalt  }
0x54: {  	_ =	shalt  }
0x55: {  	_ =	shalt  }
0x56: {  	_ =	shalt  }
0x57: {  	_ =	shalt  }
0x58: {  	_ =	shalt  }
0x59: {  	_ =	shalt  }
0x5a: {  	_ =	shalt  }
0x5b: {  	_ =	shalt  }
0x5c: {  	_ =	shalt  }
0x5d: {  	_ =	shalt  }
0x5e: {  	_ =	shalt  }
0x5f: {  	_ =	shalt  }
0x60: {  	_ =	shalt  }
0x61: {  	_ =	shalt  }
0x62: {  	_ =	shalt  }
0x63: {  	_ =	shalt  }
0x64: {  	_ =	shalt  }
0x65: {  	_ =	shalt  }
0x66: {  	_ =	shalt  }
0x67: {  	_ =	shalt  }
0x68: {  	_ =	shalt  }
0x69: {  	_ =	shalt  }
0x6a: {  	_ =	shalt  }
0x6b: {  	_ =	shalt  }
0x6c: {  	_ =	shalt  }
0x6d: {  	_ =	shalt  }
0x6e: {  	_ =	shalt  }
0x6f: {  	_ =	shalt  }
0x70: {  	_ =	shalt  }
0x71: {  	_ =	shalt  }
0x72: {  	_ =	shalt  }
0x73: {  	_ =	shalt  }
0x74: {  	_ =	shalt  }
0x75: {  	_ =	shalt  }
0x76: {  	_ =	shalt  }
0x77: {  	_ =	shalt  }
0x78: {  	_ =	shalt  }
0x79: {  	_ =	shalt  }
0x7a: {  	_ =	shalt  }
0x7b: {  	_ =	shalt  }
0x7c: {  	_ =	shalt  }
0x7d: {  	_ =	shalt  }
0x7e: {  	_ =	shalt  }
0x7f: {  	_ =	shalt  }
0x80: {  	_ =	shalt  }
0x81: {  	_ =	shalt  }
0x82: {  	_ =	shalt  }
0x83: {  	_ =	shalt  }
0x84: {  	_ =	shalt  }
0x85: {  	_ =	shalt  }
0x86: {  	_ =	shalt  }
0x87: {  	_ =	shalt  }
.Lfunc_end0:
.L_simem_size_0:
called_computation.1_lowered:
.L_overlay_start_0:
0x88: {  	s2 =	sld [smem:$0x3FD9]  }
0x89: {  	s3 =	sld [smem:$0x3FFE];
	_ =	sdelay $0x1  }
0x8a: {  	s1 =	srdreg.scid  }
0x8b: {  	s0 =	sand.u32 $0x1, s1  }
0x8c: {  	s14 =	sshll.u32 s0, $0xA;
	s2 =	sadd.s32 s3, s2  }
0x8d: {  	s2 =	sadd.s32 s2, s14  }
0x8e: {  	[smem:$0x3FB2] =	sst s2  }
0x8f: {  	_ = 	snop  }
0x90: {  	s2 =	sld [smem:$0x3FD0];
	_ =	sdelay $0x2  }
0x91: {  	s15 =	simm.s32 $0xA;
	s4 =	simm.s32 $0x10  }
0x92: {  	[smem:s4], [sflag:s15] =	dma.local [hbm:s2], $0x1  }
0x93: {  	_ =	swait.eq [sflag:s15], $0x1  }
0x94: {  	[sflag:s15] =	ssyncset.done $0x0  }
0x95: {  	[sflag:s15] =	ssyncadd.s32 $0xFFFFFFFF  }
0x96: {  	s16 =	sld [smem:$0x11];
	(tm) =	ssettm $0x1  }
0x97: {  	s17 =	sld [smem:$0x3FFB];
	_ =	sdelay $0x3  }
0x98: {  	_ =	strace s17  }
0x99: {  	s3 =	sld [smem:$0x3FFC];
	_ =	sdelay $0x3  }
0x9a: {  	_ =	strace s3  }
0x9b: {  	s3 =	sld [smem:$0x3FFD];
	_ =	sdelay $0x3  }
0x9c: {  	_ =	strace s3  }
0x9d: {  	_ =	strace $0x8FFFFFFF  }
0x9e: {  	s18 =	sld [smem:$0x3FDB];
	_ =	sdelay $0x1  }
0x9f: {  	s19 =	simm.s32 $_scs_section_size  }
0xa0: {  	s5 =	simm.s32 $_size__tile_overlayer_lowered;
	s6 =	simm.s32 $_tile_overlayer_lowered  }
0xa1: {  	s22 =	simm.s32 $0x1BFF;
	s21 =	sshll.u32 s6, $0x1;
	s3 =	sadd.s32 s19, s18  }
0xa2: {  	s7 =	simm.s32 $0x0;
	s20 =	sshll.u32 s5, $0x1;
	s5 =	sadd.s32 s21, s3  }
0xa3: {  	[timem:s7], [sflag:s22] =	dma.local [hbm:s5], s20  }
0xa4: {  	_ =	swait.ge [sflag:s22], s20  }
0xa5: {  	s4 =	ssub.s32 $0x0, s20;
	[sflag:s22] =	ssyncset.done $0x0  }
0xa6: {  	[sflag:s22] =	ssyncadd.s32 s4;
	_ =	sdelay $0x1  }
0xa7: {  	s23 =	simm.s32 $0x1B8B  }
0xa8: {  	_ =	swait.ge [sflag:s23], $0x1  }
0xa9: {  	[sflag:s23] =	ssyncset.done $0x0  }
0xaa: {  	s25 =	simm.s32 $0x1B8E;
	s24 =	sld [smem:$0x3FFE];
	[sflag:s23] =	ssyncadd.s32 $0xFFFFFFFF  }
0xab: {  	s26 =	simm.s32 $execute0_lowered;
	[smem:$0x3FD2] =	sst s25  }
0xac: {  	s5 =	sshll.u32 s26, $0x1;
	_ =	strace $0x80000049;
	[dreg:$0x1] =	wrdreg $0xFFFFFFFF  }
0xad: {  	s28 =	simm.s32 $_size_execute0_lowered;
	s3 =	sadd.s32 s3, s5;
	[dreg:$0x0] =	wrdreg $0x0  }
0xae: {  	s5 =	sshll.u32 s28, $0x1;
	[dreg:$0x2] =	wrdreg s3  }
0xaf: {  	[dreg:$0x3] =	wrdreg s5  }
0xb0: {  	[dreg:$0x4] =	wrdreg $0xC0  }
0xb1: {  	_ =	task [dreg:s7], $0x5FFFF  }
0xb2: {  	[dreg:$0x1] =	wrdreg $0xFFFFFFFF  }
0xb3: {  	[dreg:$0x0] =	wrdreg $0x60  }
0xb4: {  	[dreg:$0x2] =	wrdreg s24  }
0xb5: {  	[dreg:$0x3] =	wrdreg s16  }
0xb6: {  	[dreg:$0x4] =	wrdreg $0x9  }
0xb7: {  	_ =	task.clear_ibuf [dreg:s7], $0x5FFFF;
	_ =	strace $0x90000049  }
0xb8: {  	s29 =	simm.s32 $0x9;
	_ =	strace $0x8000004B  }
0xb9: {  	_ =	swait.ge [sflag:s29], $0x1  }
0xba: {  	[sflag:s29] =	ssyncadd.s32 $0xFFFFFFFF  }
0xbb: {  	_ =	strace $0x9000004B  }
0xbc: {  	_ =	sfence  }
0xbd: {  	s30 =	sld [smem:$0x0];
	_ =	sdelay $0x2  }
0xbe: {  	s31 =	sshll.u32 s1, $0xD;
	s1 =	sshrl.u32 s1, $0x2  }
0xbf: {  	s3 =	sand.u32 $0x4000, s31;
	s1 =	sadd.s32 s1, s30  }
0xc0: {  	s0 =	sor.u32 s3, s0;
	s1 =	sshll.u32 s1, $0x11  }
0xc1: {  	s0 =	sor.u32 s1, s0  }
0xc2: {  	s0 =	sadd.s32 $0x8F2B, s0  }
0xc3: {  	[sflag:s0] =	ssyncadd.remote.s32 $0x1  }
0xc4: {  	_ =	sfence.sel $0xFFFF  }
0xc5: {  	[dreg:$0x0] =	wrdreg $0xFFFFFFFF;
	(pc) =	sbr.abs _section_cstart, $3  }
0xc6: {  	[dreg:$0x1] =	wrdreg $0xFFFFFFFF  }
0xc7: {  	_ =	task.clear_ibuf [dreg:s7], $0x2FFFF;
	_ =	strace $0x9FFFFFFF  }
0xc8: {  	(tm) =	ssettm $0x7FFFFFFF  }
0xc9: {  	_ =	shalt  }
tec
execute0_lowered:
.L_overlay_start_1:
0x0: {  	(tag) =	ssettag $0x1  }
0x1: {  	s2 =	rddreg [dreg:$0x0]  }
0x2: {  	s3 =	rddreg [dreg:$0x1]  }
0x3: {  	s0 =	rddreg [dreg:$0x2];
	s1 =	srdreg.scid;
	_ =	strace $0x8000004A  }
0x4: {  	s4 =	simm.s32 $0x1;
	s9 =	simm.s32 $0x3;
	s5 =	sshll.u32 s1, $0x4  }
.Ltmp0:
0x5: {  	s1 =	stileid.u32;
	s5 =	sand.u32 $0x10, s5;
	(pc) =	sbr.rel .LBB2_1-.Ltmp0, $4  }
0x6: {  	s11 =	simm.s32 $0x0;
	p0 =	por $0x0, $0x0;
	s6 =	sor.u32 s1, s5  }
0x7: {  	[sflag:s4] =	ssyncpa.u1 $0x0;
	s5 =	simm.s32 $0x2;
	s6 =	sshll.u32 s6, $0x6  }
0x8: {  	s7 =	sadd.s32 $0x80200, s2;
	[sflag:s5] =	ssyncpa.u1 $0x0;
	s8 =	sadd.s32 $0x40, s6  }
0x9: {  	vm0 =	vmmov $0xff;
	vm1 =	vcmask $0x3F20;
	[sflag:s9] =	ssyncpa.u1 $0x0;
	s10 =	smov.u32 s6;
	s9 =	simm.s32 $0x0  }
.LBB2_9:
0xa: {  	p1 =	slt.u32 s9, $0x2;
	s11 =	sadd.s32 $0x20, s10  }
0xb: {  	s13 =	smov.u32 s6;
	s9 =	sadd.s32 $0x1, s9;
	p2 =	slt.s32 s11, s8  }
0xc: {  	s13 =	smov.u32 @p2 s11;
	p2 =	sne.s32 s9, $0x4  }
.Ltmp1:
0xd: {  	_ = 	snop;
	(pc) =	sbr.rel @!p2 .LBB2_10-.Ltmp1, $4  }
0xe: {  	s12 =	simm.s32 @!p1 $0x3  }
0xf: {  	_ =	swait.ge @!p1 [sflag:s12], $0x8000  }
0x10: {  	p0 =	por !p0, !p0;
	[sflag:s12] =	ssyncset.done @!p1 $0x0  }
0x11: {  	s11 =	smov.u32 s10;
	s10 =	smov.u32 s13;
	[sflag:s12] =	ssyncadd.s32 @!p1 $0xFFFF8000  }
.LBB2_1:
0x12: {  	p1 =	sgt.u32 s9, $0x1  }
0x13: {  	s12 =	sshll.u32 @!p1 s9, $0x5;
	s13 =	sshrl.u32 @!p1 s10, $0x3  }
0x14: {  	s14 =	sand.u32 @!p1 $0x7, s10;
	s12 =	sxor.u32 @!p1 $0x20, s12;
	s13 =	sadd.s32 @!p1 s7, s13  }
0x15: {  	[tilespmem:s12], [sflag:$0x2] =	stream.linear.gather @!p1 [hbm4b:s13+s14], $0x20, $0x38;
	[tilespmem:$0x10040] =	vst v63  }
0x16: {  	p1 =	seq.s32 s9, $0x0  }
0x17: {  	p2 =	seq.s32 @!p1 s9, $0x3  }
0x18: {  	p1 =	por p1, p2  }
.Ltmp2:
0x19: {  	_ = 	snop;
	(pc) =	sbr.rel @p1 .LBB2_9-.Ltmp2, $1  }
0x1a: {  	_ =	sdelay $0x3  }
0x1b: {  	s12 =	simm.s32 $0x1  }
0x1c: {  	_ =	swait.ge [sflag:s5], $0x20;
	s13 =	sand.u32 $0x1, s9;
	s12 =	simm.s32 @!p0 $0x0  }
0x1d: {  	s15 =	simm.s32 $0x0;
	p1 =	por $0x1, $0x1;
	s12 =	sshll.u32 s12, $0x11  }
0x1e: {  	[sflag:s5] =	ssyncset.done $0x0;
	s13 =	sshll.u32 s13, $0x5;
	s14 =	sshrl.u32 s12, $0x2  }
0x1f: {  	[sflag:s5] =	ssyncadd.s32 $0xFFFFFFE0;
	s12 =	sor.u32 $0x40, s14;
	s14 =	sadd.s32 $0x40, s14  }
.LBB2_3:
0x20: {  	s16 =	sshll.u32 s15, $0x4  }
0x21: {  	s16 =	sand.u32 $0x3FFFFFF0, s16  }
0x22: {  	s16 =	sadd.s32 s16, s13  }
0x23: {  	v0 =	vld.msk [tilespmem:s16+$0x0 ss:$0x1], $0xffff;
	_ =	sdelay $0x4  }
0x24: {  	v1 =	vshrl.u32 v0, $0x1  }
0x25: {  	vm2 =	veq.s32 v0, $0x80000000;
	v1 =	vand.u32 $0x7FF, v1  }
0x26: {  	v0 =	vshll.u32 v0, $0x15;
	v1 =	vsel vm2, $0xFFFFFFFF, v1  }
0x27: {  	v0 =	vand.u32 $0x200000, v0;
	v2 =	vshll.u32 v1, $0xA  }
0x28: {  	v0 =	vsel vm2, $0xFFE00000, v0;
	v1 =	vshll.u32 v1, $0x7;
	v2 =	vand.u32 $0xFFFFE000, v2  }
0x29: {  	v1 =	vand.u32 $0x380, v1;
	v0 =	vadd.s32 v0, v2  }
0x2a: {  	v0 =	vor.u32 v1, v0  }
0x2b: {  	v0 =	vshrl.u32 v0, $0x3  }
0x2c: {  	s31 =	sshll.u32 s15, $0x10  }
0x2d: {  	s15 =	sshra.s32 s31, $0x2  }
0x2e: {  	s15 =	sadd.s32 s15, s14  }
0x2f: {  	s17 =	sadd.s32 $0x0, s15  }
0x30: {  	[tilespmem:s17], [sflag:$0x1] =	stream.indirect_vreg.gather [hbm:s2], $0x80, v0, vm0, $0x38;
	[tilespmem:$0x10040] =	vst v63  }
0x31: {  	p2 =	por p1, p1;
	s16 =	simm.s32 $0x1000;
	v1 =	vadd.s32 $0x80, v0;
	s17 =	sadd.s32 $0x2000, s17  }
.LBB2_4:
0x32: {  	[tilespmem:s17], [sflag:$0x1] =	stream.indirect_vreg.gather [hbm:s2], $0x80, v0, vm1, $0x38;
	[tilespmem:$0x10040] =	vst v63  }
0x33: {  	v0 =	vmov v1;
	s17 =	smov.u32 s16;
	p1 =	sne.s32 s16, $0x7000  }
.Ltmp3:
0x34: {  	s16 =	sadd.s32 $0x1000, s16;
	(pc) =	sbr.rel @p1 .LBB2_4-.Ltmp3, $4  }
0x35: {  	s17 =	sshra.s32 s17, $0x2  }
0x36: {  	s17 =	sadd.s32 s17, s15  }
0x37: {  	[tilespmem:s17], [sflag:$0x1] =	stream.indirect_vreg.gather [hbm:s2], $0x80, v1, vm0, $0x38;
	[tilespmem:$0x10040] =	vst v63  }
0x38: {  	s17 =	sadd.s32 $0x2000, s17;
	v1 =	vadd.s32 $0x80, v1  }
0x39: {  	_ = 	snop  }
.Ltmp4:
0x3a: {  	_ = 	snop;
	(pc) =	sbr.rel @p2 .LBB2_3-.Ltmp4, $3  }
0x3b: {  	_ =	sdelay $0x1  }
0x3c: {  	[tilespmem:s17], [sflag:$0x1] =	stream.indirect_vreg.gather [hbm:s2], $0x80, v0, vm1, $0x38;
	[tilespmem:$0x10040] =	vst v63  }
0x3d: {  	s15 =	simm.s32 $0x1;
	p1 =	por $0x0, $0x0  }
0x3e: {  	s13 =	sshll.u32 s11, $0x7  }
0x3f: {  	s31 =	sshll.u32 s11, $0x4;
	s13 =	sand.u32 $0xFFFFFC00, s13  }
0x40: {  	_ =	swait.ge [sflag:s4], $0x8000;
	s11 =	sand.u32 $0x70, s31;
	s13 =	sadd.s32 s13, s3  }
0x41: {  	s14 =	sadd.s32 $0x2000, s12;
	[sflag:s4] =	ssyncset.done $0x0;
	s11 =	sadd.s32 s11, s13  }
0x42: {  	[sflag:s4] =	ssyncadd.s32 $0xFFFF8000;
	s13 =	simm.s32 $0x400;
	s15 =	sadd.s32 $0x0, s11  }
.LBB2_7:
0x43: {  	[hbm:s15] =	stream.linear.scatter [tilespmem:s12], [sflag:$0x3], $0x2000, $0x38;
	[tilespmem:$0x10040] =	vst v63  }
0x44: {  	s15 =	smov.u32 s13;
	s12 =	smov.u32 s14;
	p1 =	sne.s32 s13, $0xC00  }
.Ltmp5:
0x45: {  	s13 =	sadd.s32 $0x400, s13;
	(pc) =	sbr.rel @p1 .LBB2_7-.Ltmp5, $2  }
0x46: {  	_ =	sdelay $0x2  }
0x47: {  	s14 =	sadd.s32 $0x2000, s14;
	s15 =	sadd.s32 s15, s11  }
.Ltmp6:
0x48: {  	(pc) =	sbr.rel .LBB2_9-.Ltmp6, $2  }
0x49: {  	_ =	sdelay $0x2  }
0x4a: {  	[hbm:s15] =	stream.linear.scatter [tilespmem:s12], [sflag:$0x3], $0x2000, $0x38;
	[tilespmem:$0x10040] =	vst v63  }
.LBB2_10:
0x4b: {  	_ =	sfence.sel $0x180000  }
0x4c: {  	s2 =	simm.s32 $0x2;
	[bflag:$0x0] =	sbarrier.arrive $0xFFFF  }
0x4d: {  	s30 =	simm.s32 $0x3;
	[sflag:s2] =	ssyncpa.u1 $0x1  }
0x4e: {  	s31 =	simm.s32 $0x1;
	[sflag:s30] =	ssyncpa.u1 $0x1  }
0x4f: {  	[sflag:s31] =	ssyncpa.u1 $0x1  }
0x50: {  	p0 =	sne.s32 s1, $0x0;
	_ =	strace $0x9000004A  }
0x51: {  	s0 =	sadd.s32 @!p0 $0x100000, s0;
	[bflag:$0x2] =	sbarrier.arrive $0xFFFF  }
0x52: {  	[sflag:s0] =	ssyncadd.tile.s32 @!p0 $0x1;
	_ =	shalt  }
.Lfunc_end2:
_tile_overlayer_lowered:
.L_overlay_start_2:
0x53: {  	(tag) =	ssettag $0x2  }
0x54: {  	s0 =	rddreg [dreg:$0x0];
	s2 =	stileid.u32  }
0x55: {  	s1 =	rddreg [dreg:$0x1];
	p0 =	sne.s32 s2, $0x0  }
0x56: {  	s3 =	rddreg [dreg:$0x2];
	[bflag:$0x3] =	sbarrier.arrive $0xFFFF;
	s2 =	simm.s32 @!p0 $0x1C01  }
0x57: {  	[timem:s3], [sflag:s2] =	dma.local @!p0 [hbm:s0], s1  }
0x58: {  	s0 =	simm.s32 @!p0 $0x1  }
0x59: {  	_ =	swait.ge @!p0 [sflag:s0], s1  }
0x5a: {  	s1 =	ssub.s32 @!p0 $0x0, s1;
	[sflag:s0] =	ssyncset.done @!p0 $0x0  }
0x5b: {  	[sflag:s0] =	ssyncadd.s32 @!p0 s1  }
0x5c: {  	[bflag:$0x3] =	sbarrier.arrive $0xFFFF  }
0x5d: {  	_ =	shalt  }

// kernel: gather_offload_async_start.2
scs
__scs_entry_jumppad:
0x0: {  	(pc) =	sbr.rel $0x88, $3  }
0x1: {  	(tag) =	ssettag $0x0;
	lr =	simm.s32 $0x1  }
0x2: {  	[smem:$0x3F8B] =	sst lr;
	_ =	strace $0xD0000000  }
0x3: {  	_ = 	snop  }
0x4: {  	_ = 	snop  }
0x5: {  	_ = 	snop  }
0x6: {  	_ = 	snop  }
0x7: {  	_ = 	snop  }
__scs_overlays_trampoline_lowered:
0x8: {  	[smem:$0x3F9A] =	sst s0  }
0x9: {  	[smem:$0x3F9B] =	sst s1  }
0xa: {  	[smem:$0x3F9C] =	sst s2  }
0xb: {  	[smem:$0x3F9D] =	sst s3  }
0xc: {  	[smem:$0x3F9E] =	sst s4  }
0xd: {  	[smem:$0x3F9F] =	sst s5  }
0xe: {  	[smem:$0x3FA0] =	sst s6  }
0xf: {  	[smem:$0x3FA1] =	sst s7  }
0x10: {  	[smem:$0x3FA2] =	sst s8  }
0x11: {  	[smem:$0x3FA3] =	sst s9;
	s0 =	simm.s32 @!p0 $0x0  }
0x12: {  	s1 =	sld [smem:$0x3F89];
	s0 =	simm.s32 @p0 $0x1  }
0x13: {  	[smem:$0x3FA4] =	sst s0;
	s0 =	simm.s32 @!p1 $0x0  }
0x14: {  	s2 =	sld [smem:$0x3F88];
	s0 =	simm.s32 @p1 $0x1  }
0x15: {  	[smem:$0x3FA5] =	sst s0;
	s0 =	simm.s32 @!p2 $0x0  }
0x16: {  	s3 =	sld [smem:$0x3FDB];
	s0 =	simm.s32 @p2 $0x1  }
0x17: {  	s4 =	simm.s32 $0x1BF5;
	[smem:$0x3FA7] =	sst s0  }
0x18: {  	s0 =	sld [smem:$0x3F8A];
	_ =	swait.ge [sflag:s4], $0x0  }
0x19: {  	s7 =	sld [smem:$0x3F8B]  }
0x1a: {  	s8 =	sadd.s32 $0xFFFFE003, lr  }
0x1b: {  	s9 =	sadd.s32 $0xFFFFFEF7, lr;
	s5 =	simm.s32 $0xFFFFFFFF;
	p2 =	slt.u32 s8, $0xFFFFF086  }
0x1c: {  	p1 =	slt.u32 s9, $0xF7A;
	s5 =	simm.s32 @!p2 $0x0  }
0x1d: {  	s5 =	simm.s32 @p1 $0x1;
	p0 =	seq.s32 s7, s2  }
0x1e: {  	s7 =	smul.u32 @!p0 $0xF7A, s2;
	p2 =	seq.s32 @!p0 s5, $0x0  }
0x1f: {  	s9 =	smul.u32 $0xF7A, s1;
	s8 =	simm.s32 @!p0 $0x1BF5;
	p2 =	por !p2, p0  }
0x20: {  	[sflag:s8] =	ssyncset.s32 @!p0 $0xFFFFF086;
	s6 =	sadd.s32 @!p0 s3, s7;
	s7 =	simm.s32 @!p0 $0x108  }
0x21: {  	s3 =	sadd.s32 s3, s9;
	s6 =	sadd.s32 @!p0 $0x88, s6;
	s7 =	simm.s32 @p2 $0x1082  }
0x22: {  	[simem:s7], [sflag:s8] =	dma.local @!p0 [hbm:s6], $0xF7A  }
0x23: {  	s9 =	sor.u32 $0xD0000000, s2;
	s6 =	simm.s32 $0x108;
	_ =	swait.ge @!p0 [sflag:s8], $0x0  }
0x24: {  	s3 =	sadd.s32 $0x88, s3;
	s6 =	simm.s32 @!p1 $0x1082;
	[sflag:s4] =	ssyncset.s32 $0xFFFFF086  }
0x25: {  	[simem:s6], [sflag:s4] =	dma.local [hbm:s3], $0xF7A  }
0x26: {  	[smem:$0x3F8B] =	sst s1;
	(tag) =	ssettag s2;
	_ =	strace s9  }
0x27: {  	s1 =	sld [smem:$0x3F9B]  }
0x28: {  	s2 =	sld [smem:$0x3F9C]  }
0x29: {  	s4 =	sld [smem:$0x3F9E]  }
0x2a: {  	p0 =	seq.s32 s5, $0x0;
	s5 =	sld [smem:$0x3F9F]  }
0x2b: {  	s6 =	sld [smem:$0x3FA0]  }
0x2c: {  	s7 =	sld [smem:$0x3FA1]  }
0x2d: {  	s3 =	simm.s32 $0x108;
	s8 =	sld [smem:$0x3FA2]  }
0x2e: {  	s3 =	simm.s32 @!p0 $0x1082;
	s9 =	sld [smem:$0x3FA3]  }
0x2f: {  	lr =	sadd.s32 s0, s3;
	s0 =	sld [smem:$0x3F9A]  }
0x30: {  	s3 =	sld [smem:$0x3F9D]  }
0x31: {  	[smem:$0x3FA6] =	sst s10  }
0x32: {  	s10 =	sld [smem:$0x3FA4];
	_ =	sdelay $0x3  }
0x33: {  	p0 =	seq.s32 s10, $0x1;
	s10 =	sld [smem:$0x3FA6];
	_ =	sdelay $0x3  }
0x34: {  	[smem:$0x3FA6] =	sst s10  }
0x35: {  	s10 =	sld [smem:$0x3FA5];
	_ =	sdelay $0x3  }
0x36: {  	p1 =	seq.s32 s10, $0x1;
	s10 =	sld [smem:$0x3FA6];
	_ =	sdelay $0x3  }
0x37: {  	[smem:$0x3FA6] =	sst s10  }
0x38: {  	s10 =	sld [smem:$0x3FA7]  }
0x39: {  	_ = 	snop;
	(pc) =	sbr.ind lr, $3  }
0x3a: {  	_ = 	snop  }
0x3b: {  	_ = 	snop  }
0x3c: {  	p2 =	seq.s32 s10, $0x1;
	s10 =	sld [smem:$0x3FA6]  }
0x3d: {  	_ =	shalt  }
0x3e: {  	_ =	shalt  }
0x3f: {  	_ =	shalt  }
0x40: {  	_ =	shalt  }
0x41: {  	_ =	shalt  }
0x42: {  	_ =	shalt  }
0x43: {  	_ =	shalt  }
0x44: {  	_ =	shalt  }
0x45: {  	_ =	shalt  }
0x46: {  	_ =	shalt  }
0x47: {  	_ =	shalt  }
0x48: {  	_ =	shalt  }
0x49: {  	_ =	shalt  }
0x4a: {  	_ =	shalt  }
0x4b: {  	_ =	shalt  }
0x4c: {  	_ =	shalt  }
0x4d: {  	_ =	shalt  }
0x4e: {  	_ =	shalt  }
0x4f: {  	_ =	shalt  }
0x50: {  	_ =	shalt  }
0x51: {  	_ =	shalt  }
0x52: {  	_ =	shalt  }
0x53: {  	_ =	shalt  }
0x54: {  	_ =	shalt  }
0x55: {  	_ =	shalt  }
0x56: {  	_ =	shalt  }
0x57: {  	_ =	shalt  }
0x58: {  	_ =	shalt  }
0x59: {  	_ =	shalt  }
0x5a: {  	_ =	shalt  }
0x5b: {  	_ =	shalt  }
0x5c: {  	_ =	shalt  }
0x5d: {  	_ =	shalt  }
0x5e: {  	_ =	shalt  }
0x5f: {  	_ =	shalt  }
0x60: {  	_ =	shalt  }
0x61: {  	_ =	shalt  }
0x62: {  	_ =	shalt  }
0x63: {  	_ =	shalt  }
0x64: {  	_ =	shalt  }
0x65: {  	_ =	shalt  }
0x66: {  	_ =	shalt  }
0x67: {  	_ =	shalt  }
0x68: {  	_ =	shalt  }
0x69: {  	_ =	shalt  }
0x6a: {  	_ =	shalt  }
0x6b: {  	_ =	shalt  }
0x6c: {  	_ =	shalt  }
0x6d: {  	_ =	shalt  }
0x6e: {  	_ =	shalt  }
0x6f: {  	_ =	shalt  }
0x70: {  	_ =	shalt  }
0x71: {  	_ =	shalt  }
0x72: {  	_ =	shalt  }
0x73: {  	_ =	shalt  }
0x74: {  	_ =	shalt  }
0x75: {  	_ =	shalt  }
0x76: {  	_ =	shalt  }
0x77: {  	_ =	shalt  }
0x78: {  	_ =	shalt  }
0x79: {  	_ =	shalt  }
0x7a: {  	_ =	shalt  }
0x7b: {  	_ =	shalt  }
0x7c: {  	_ =	shalt  }
0x7d: {  	_ =	shalt  }
0x7e: {  	_ =	shalt  }
0x7f: {  	_ =	shalt  }
0x80: {  	_ =	shalt  }
0x81: {  	_ =	shalt  }
0x82: {  	_ =	shalt  }
0x83: {  	_ =	shalt  }
0x84: {  	_ =	shalt  }
0x85: {  	_ =	shalt  }
0x86: {  	_ =	shalt  }
0x87: {  	_ =	shalt  }
.Lfunc_end0:
.L_simem_size_0:
called_computation.2_lowered:
.L_overlay_start_0:
0x88: {  	s2 =	sld [smem:$0x3FD9]  }
0x89: {  	s3 =	sld [smem:$0x3FFE];
	_ =	sdelay $0x1  }
0x8a: {  	s1 =	srdreg.scid  }
0x8b: {  	s0 =	sand.u32 $0x1, s1  }
0x8c: {  	s14 =	sshll.u32 s0, $0xA;
	s2 =	sadd.s32 s3, s2  }
0x8d: {  	s2 =	sadd.s32 s2, s14  }
0x8e: {  	[smem:$0x3FB2] =	sst s2  }
0x8f: {  	_ = 	snop  }
0x90: {  	s2 =	sld [smem:$0x3FD0];
	_ =	sdelay $0x2  }
0x91: {  	s15 =	simm.s32 $0xA;
	s4 =	simm.s32 $0x10  }
0x92: {  	[smem:s4], [sflag:s15] =	dma.local [hbm:s2], $0x1  }
0x93: {  	_ =	swait.eq [sflag:s15], $0x1  }
0x94: {  	[sflag:s15] =	ssyncset.done $0x0  }
0x95: {  	[sflag:s15] =	ssyncadd.s32 $0xFFFFFFFF  }
0x96: {  	s16 =	sld [smem:$0x11];
	(tm) =	ssettm $0x1  }
0x97: {  	s17 =	sld [smem:$0x3FFB];
	_ =	sdelay $0x3  }
0x98: {  	_ =	strace s17  }
0x99: {  	s3 =	sld [smem:$0x3FFC];
	_ =	sdelay $0x3  }
0x9a: {  	_ =	strace s3  }
0x9b: {  	s3 =	sld [smem:$0x3FFD];
	_ =	sdelay $0x3  }
0x9c: {  	_ =	strace s3  }
0x9d: {  	_ =	strace $0x8FFFFFFF  }
0x9e: {  	s18 =	sld [smem:$0x3FDB];
	_ =	sdelay $0x1  }
0x9f: {  	s19 =	simm.s32 $_scs_section_size  }
0xa0: {  	s5 =	simm.s32 $_size__tile_overlayer_lowered;
	s6 =	simm.s32 $_tile_overlayer_lowered  }
0xa1: {  	s22 =	simm.s32 $0x1BFF;
	s21 =	sshll.u32 s6, $0x1;
	s3 =	sadd.s32 s19, s18  }
0xa2: {  	s7 =	simm.s32 $0x0;
	s20 =	sshll.u32 s5, $0x1;
	s5 =	sadd.s32 s21, s3  }
0xa3: {  	[timem:s7], [sflag:s22] =	dma.local [hbm:s5], s20  }
0xa4: {  	_ =	swait.ge [sflag:s22], s20  }
0xa5: {  	s4 =	ssub.s32 $0x0, s20;
	[sflag:s22] =	ssyncset.done $0x0  }
0xa6: {  	[sflag:s22] =	ssyncadd.s32 s4;
	_ =	sdelay $0x1  }
0xa7: {  	s23 =	simm.s32 $0x1B8B  }
0xa8: {  	_ =	swait.ge [sflag:s23], $0x1  }
0xa9: {  	[sflag:s23] =	ssyncset.done $0x0  }
0xaa: {  	s25 =	simm.s32 $0x1B8E;
	s24 =	sld [smem:$0x3FFE];
	[sflag:s23] =	ssyncadd.s32 $0xFFFFFFFF  }
0xab: {  	s26 =	simm.s32 $execute0_lowered;
	[smem:$0x3FD2] =	sst s25  }
0xac: {  	s5 =	sshll.u32 s26, $0x1;
	_ =	strace $0x8000004C;
	[dreg:$0x1] =	wrdreg $0xFFFFFFFF  }
0xad: {  	s28 =	simm.s32 $_size_execute0_lowered;
	s3 =	sadd.s32 s3, s5;
	[dreg:$0x0] =	wrdreg $0x0  }
0xae: {  	s5 =	sshll.u32 s28, $0x1;
	[dreg:$0x2] =	wrdreg s3  }
0xaf: {  	[dreg:$0x3] =	wrdreg s5  }
0xb0: {  	[dreg:$0x4] =	wrdreg $0xC0  }
0xb1: {  	_ =	task [dreg:s7], $0x5FFFF  }
0xb2: {  	[dreg:$0x1] =	wrdreg $0xFFFFFFFF  }
0xb3: {  	[dreg:$0x0] =	wrdreg $0x60  }
0xb4: {  	[dreg:$0x2] =	wrdreg s24  }
0xb5: {  	[dreg:$0x3] =	wrdreg s16  }
0xb6: {  	[dreg:$0x4] =	wrdreg $0x9  }
0xb7: {  	_ =	task.clear_ibuf [dreg:s7], $0x5FFFF;
	_ =	strace $0x9000004C  }
0xb8: {  	s29 =	simm.s32 $0x9;
	_ =	strace $0x8000004E  }
0xb9: {  	_ =	swait.ge [sflag:s29], $0x1  }
0xba: {  	[sflag:s29] =	ssyncadd.s32 $0xFFFFFFFF  }
0xbb: {  	_ =	strace $0x9000004E  }
0xbc: {  	_ =	sfence  }
0xbd: {  	s30 =	sld [smem:$0x0];
	_ =	sdelay $0x2  }
0xbe: {  	s31 =	sshll.u32 s1, $0xD;
	s1 =	sshrl.u32 s1, $0x2  }
0xbf: {  	s3 =	sand.u32 $0x4000, s31;
	s1 =	sadd.s32 s1, s30  }
0xc0: {  	s0 =	sor.u32 s3, s0;
	s1 =	sshll.u32 s1, $0x11  }
0xc1: {  	s0 =	sor.u32 s1, s0  }
0xc2: {  	s0 =	sadd.s32 $0x8F2B, s0  }
0xc3: {  	[sflag:s0] =	ssyncadd.remote.s32 $0x1  }
0xc4: {  	_ =	sfence.sel $0xFFFF  }
0xc5: {  	[dreg:$0x0] =	wrdreg $0xFFFFFFFF;
	(pc) =	sbr.abs _section_cstart, $3  }
0xc6: {  	[dreg:$0x1] =	wrdreg $0xFFFFFFFF  }
0xc7: {  	_ =	task.clear_ibuf [dreg:s7], $0x2FFFF;
	_ =	strace $0x9FFFFFFF  }
0xc8: {  	(tm) =	ssettm $0x7FFFFFFF  }
0xc9: {  	_ =	shalt  }
tec
execute0_lowered:
.L_overlay_start_1:
0x0: {  	(tag) =	ssettag $0x1  }
0x1: {  	s2 =	rddreg [dreg:$0x0]  }
0x2: {  	s3 =	rddreg [dreg:$0x1]  }
0x3: {  	s0 =	rddreg [dreg:$0x2];
	s1 =	srdreg.scid;
	_ =	strace $0x8000004D  }
0x4: {  	s4 =	simm.s32 $0x1;
	s9 =	simm.s32 $0x3;
	s5 =	sshll.u32 s1, $0x4  }
.Ltmp0:
0x5: {  	s1 =	stileid.u32;
	s5 =	sand.u32 $0x10, s5;
	(pc) =	sbr.rel .LBB2_1-.Ltmp0, $4  }
0x6: {  	s11 =	simm.s32 $0x0;
	p0 =	por $0x0, $0x0;
	s6 =	sor.u32 s1, s5  }
0x7: {  	[sflag:s4] =	ssyncpa.u1 $0x0;
	s5 =	simm.s32 $0x2;
	s6 =	sshll.u32 s6, $0x6  }
0x8: {  	s7 =	sadd.s32 $0x80200, s2;
	[sflag:s5] =	ssyncpa.u1 $0x0;
	s8 =	sadd.s32 $0x40, s6  }
0x9: {  	vm0 =	vmmov $0xff;
	vm1 =	vcmask $0x3F20;
	[sflag:s9] =	ssyncpa.u1 $0x0;
	s10 =	smov.u32 s6;
	s9 =	simm.s32 $0x0  }
.LBB2_9:
0xa: {  	p1 =	slt.u32 s9, $0x2;
	s11 =	sadd.s32 $0x20, s10  }
0xb: {  	s13 =	smov.u32 s6;
	s9 =	sadd.s32 $0x1, s9;
	p2 =	slt.s32 s11, s8  }
0xc: {  	s13 =	smov.u32 @p2 s11;
	p2 =	sne.s32 s9, $0x4  }
.Ltmp1:
0xd: {  	_ = 	snop;
	(pc) =	sbr.rel @!p2 .LBB2_10-.Ltmp1, $4  }
0xe: {  	s12 =	simm.s32 @!p1 $0x3  }
0xf: {  	_ =	swait.ge @!p1 [sflag:s12], $0x8000  }
0x10: {  	p0 =	por !p0, !p0;
	[sflag:s12] =	ssyncset.done @!p1 $0x0  }
0x11: {  	s11 =	smov.u32 s10;
	s10 =	smov.u32 s13;
	[sflag:s12] =	ssyncadd.s32 @!p1 $0xFFFF8000  }
.LBB2_1:
0x12: {  	p1 =	sgt.u32 s9, $0x1  }
0x13: {  	s12 =	sshll.u32 @!p1 s9, $0x5;
	s13 =	sshrl.u32 @!p1 s10, $0x3  }
0x14: {  	s14 =	sand.u32 @!p1 $0x7, s10;
	s12 =	sxor.u32 @!p1 $0x20, s12;
	s13 =	sadd.s32 @!p1 s7, s13  }
0x15: {  	[tilespmem:s12], [sflag:$0x2] =	stream.linear.gather @!p1 [hbm4b:s13+s14], $0x20, $0x38;
	[tilespmem:$0x10040] =	vst v63  }
0x16: {  	p1 =	seq.s32 s9, $0x0  }
0x17: {  	p2 =	seq.s32 @!p1 s9, $0x3  }
0x18: {  	p1 =	por p1, p2  }
.Ltmp2:
0x19: {  	_ = 	snop;
	(pc) =	sbr.rel @p1 .LBB2_9-.Ltmp2, $1  }
0x1a: {  	_ =	sdelay $0x3  }
0x1b: {  	s12 =	simm.s32 $0x1  }
0x1c: {  	_ =	swait.ge [sflag:s5], $0x20;
	s13 =	sand.u32 $0x1, s9;
	s12 =	simm.s32 @!p0 $0x0  }
0x1d: {  	s15 =	simm.s32 $0x0;
	p1 =	por $0x1, $0x1;
	s12 =	sshll.u32 s12, $0x11  }
0x1e: {  	[sflag:s5] =	ssyncset.done $0x0;
	s13 =	sshll.u32 s13, $0x5;
	s14 =	sshrl.u32 s12, $0x2  }
0x1f: {  	[sflag:s5] =	ssyncadd.s32 $0xFFFFFFE0;
	s12 =	sor.u32 $0x40, s14;
	s14 =	sadd.s32 $0x40, s14  }
.LBB2_3:
0x20: {  	s16 =	sshll.u32 s15, $0x4  }
0x21: {  	s16 =	sand.u32 $0x3FFFFFF0, s16  }
0x22: {  	s16 =	sadd.s32 s16, s13  }
0x23: {  	v0 =	vld.msk [tilespmem:s16+$0x0 ss:$0x1], $0xffff;
	_ =	sdelay $0x4  }
0x24: {  	v1 =	vshrl.u32 v0, $0x1  }
0x25: {  	vm2 =	veq.s32 v0, $0x80000000;
	v1 =	vand.u32 $0x7FF, v1  }
0x26: {  	v0 =	vshll.u32 v0, $0x15;
	v1 =	vsel vm2, $0xFFFFFFFF, v1  }
0x27: {  	v0 =	vand.u32 $0x200000, v0;
	v2 =	vshll.u32 v1, $0xA  }
0x28: {  	v0 =	vsel vm2, $0xFFE00000, v0;
	v1 =	vshll.u32 v1, $0x7;
	v2 =	vand.u32 $0xFFFFE000, v2  }
0x29: {  	v1 =	vand.u32 $0x380, v1;
	v0 =	vadd.s32 v0, v2  }
0x2a: {  	v0 =	vor.u32 v1, v0  }
0x2b: {  	v0 =	vshrl.u32 v0, $0x3  }
0x2c: {  	s31 =	sshll.u32 s15, $0x10  }
0x2d: {  	s15 =	sshra.s32 s31, $0x2  }
0x2e: {  	s15 =	sadd.s32 s15, s14  }
0x2f: {  	s17 =	sadd.s32 $0x0, s15  }
0x30: {  	[tilespmem:s17], [sflag:$0x1] =	stream.indirect_vreg.gather [hbm:s2], $0x80, v0, vm0, $0x38;
	[tilespmem:$0x10040] =	vst v63  }
0x31: {  	p2 =	por p1, p1;
	s16 =	simm.s32 $0x1000;
	v1 =	vadd.s32 $0x80, v0;
	s17 =	sadd.s32 $0x2000, s17  }
.LBB2_4:
0x32: {  	[tilespmem:s17], [sflag:$0x1] =	stream.indirect_vreg.gather [hbm:s2], $0x80, v0, vm1, $0x38;
	[tilespmem:$0x10040] =	vst v63  }
0x33: {  	v0 =	vmov v1;
	s17 =	smov.u32 s16;
	p1 =	sne.s32 s16, $0x7000  }
.Ltmp3:
0x34: {  	s16 =	sadd.s32 $0x1000, s16;
	(pc) =	sbr.rel @p1 .LBB2_4-.Ltmp3, $4  }
0x35: {  	s17 =	sshra.s32 s17, $0x2  }
0x36: {  	s17 =	sadd.s32 s17, s15  }
0x37: {  	[tilespmem:s17], [sflag:$0x1] =	stream.indirect_vreg.gather [hbm:s2], $0x80, v1, vm0, $0x38;
	[tilespmem:$0x10040] =	vst v63  }
0x38: {  	s17 =	sadd.s32 $0x2000, s17;
	v1 =	vadd.s32 $0x80, v1  }
0x39: {  	_ = 	snop  }
.Ltmp4:
0x3a: {  	_ = 	snop;
	(pc) =	sbr.rel @p2 .LBB2_3-.Ltmp4, $3  }
0x3b: {  	_ =	sdelay $0x1  }
0x3c: {  	[tilespmem:s17], [sflag:$0x1] =	stream.indirect_vreg.gather [hbm:s2], $0x80, v0, vm1, $0x38;
	[tilespmem:$0x10040] =	vst v63  }
0x3d: {  	s15 =	simm.s32 $0x1;
	p1 =	por $0x0, $0x0  }
0x3e: {  	s13 =	sshll.u32 s11, $0x7  }
0x3f: {  	s31 =	sshll.u32 s11, $0x4;
	s13 =	sand.u32 $0xFFFFFC00, s13  }
0x40: {  	_ =	swait.ge [sflag:s4], $0x8000;
	s11 =	sand.u32 $0x70, s31;
	s13 =	sadd.s32 s13, s3  }
0x41: {  	s14 =	sadd.s32 $0x2000, s12;
	[sflag:s4] =	ssyncset.done $0x0;
	s11 =	sadd.s32 s11, s13  }
0x42: {  	[sflag:s4] =	ssyncadd.s32 $0xFFFF8000;
	s13 =	simm.s32 $0x400;
	s15 =	sadd.s32 $0x0, s11  }
.LBB2_7:
0x43: {  	[hbm:s15] =	stream.linear.scatter [tilespmem:s12], [sflag:$0x3], $0x2000, $0x38;
	[tilespmem:$0x10040] =	vst v63  }
0x44: {  	s15 =	smov.u32 s13;
	s12 =	smov.u32 s14;
	p1 =	sne.s32 s13, $0xC00  }
.Ltmp5:
0x45: {  	s13 =	sadd.s32 $0x400, s13;
	(pc) =	sbr.rel @p1 .LBB2_7-.Ltmp5, $2  }
0x46: {  	_ =	sdelay $0x2  }
0x47: {  	s14 =	sadd.s32 $0x2000, s14;
	s15 =	sadd.s32 s15, s11  }
.Ltmp6:
0x48: {  	(pc) =	sbr.rel .LBB2_9-.Ltmp6, $2  }
0x49: {  	_ =	sdelay $0x2  }
0x4a: {  	[hbm:s15] =	stream.linear.scatter [tilespmem:s12], [sflag:$0x3], $0x2000, $0x38;
	[tilespmem:$0x10040] =	vst v63  }
.LBB2_10:
0x4b: {  	_ =	sfence.sel $0x180000  }
0x4c: {  	s2 =	simm.s32 $0x2;
	[bflag:$0x0] =	sbarrier.arrive $0xFFFF  }
0x4d: {  	s30 =	simm.s32 $0x3;
	[sflag:s2] =	ssyncpa.u1 $0x1  }
0x4e: {  	s31 =	simm.s32 $0x1;
	[sflag:s30] =	ssyncpa.u1 $0x1  }
0x4f: {  	[sflag:s31] =	ssyncpa.u1 $0x1  }
0x50: {  	p0 =	sne.s32 s1, $0x0;
	_ =	strace $0x9000004D  }
0x51: {  	s0 =	sadd.s32 @!p0 $0x100000, s0;
	[bflag:$0x2] =	sbarrier.arrive $0xFFFF  }
0x52: {  	[sflag:s0] =	ssyncadd.tile.s32 @!p0 $0x1;
	_ =	shalt  }
.Lfunc_end2:
_tile_overlayer_lowered:
.L_overlay_start_2:
0x53: {  	(tag) =	ssettag $0x2  }
0x54: {  	s0 =	rddreg [dreg:$0x0];
	s2 =	stileid.u32  }
0x55: {  	s1 =	rddreg [dreg:$0x1];
	p0 =	sne.s32 s2, $0x0  }
0x56: {  	s3 =	rddreg [dreg:$0x2];
	[bflag:$0x3] =	sbarrier.arrive $0xFFFF;
	s2 =	simm.s32 @!p0 $0x1C01  }
0x57: {  	[timem:s3], [sflag:s2] =	dma.local @!p0 [hbm:s0], s1  }
0x58: {  	s0 =	simm.s32 @!p0 $0x1  }
0x59: {  	_ =	swait.ge @!p0 [sflag:s0], s1  }
0x5a: {  	s1 =	ssub.s32 @!p0 $0x0, s1;
	[sflag:s0] =	ssyncset.done @!p0 $0x0  }
0x5b: {  	[sflag:s0] =	ssyncadd.s32 @!p0 s1  }
0x5c: {  	[bflag:$0x3] =	sbarrier.arrive $0xFFFF  }
0x5d: {  	_ =	shalt  }

// kernel: gather_offload_async_start
scs
__scs_entry_jumppad:
0x0: {  	(pc) =	sbr.rel $0x88, $3  }
0x1: {  	(tag) =	ssettag $0x0;
	lr =	simm.s32 $0x1  }
0x2: {  	[smem:$0x3F8B] =	sst lr;
	_ =	strace $0xD0000000  }
0x3: {  	_ = 	snop  }
0x4: {  	_ = 	snop  }
0x5: {  	_ = 	snop  }
0x6: {  	_ = 	snop  }
0x7: {  	_ = 	snop  }
__scs_overlays_trampoline_lowered:
0x8: {  	[smem:$0x3F9A] =	sst s0  }
0x9: {  	[smem:$0x3F9B] =	sst s1  }
0xa: {  	[smem:$0x3F9C] =	sst s2  }
0xb: {  	[smem:$0x3F9D] =	sst s3  }
0xc: {  	[smem:$0x3F9E] =	sst s4  }
0xd: {  	[smem:$0x3F9F] =	sst s5  }
0xe: {  	[smem:$0x3FA0] =	sst s6  }
0xf: {  	[smem:$0x3FA1] =	sst s7  }
0x10: {  	[smem:$0x3FA2] =	sst s8  }
0x11: {  	[smem:$0x3FA3] =	sst s9;
	s0 =	simm.s32 @!p0 $0x0  }
0x12: {  	s1 =	sld [smem:$0x3F89];
	s0 =	simm.s32 @p0 $0x1  }
0x13: {  	[smem:$0x3FA4] =	sst s0;
	s0 =	simm.s32 @!p1 $0x0  }
0x14: {  	s2 =	sld [smem:$0x3F88];
	s0 =	simm.s32 @p1 $0x1  }
0x15: {  	[smem:$0x3FA5] =	sst s0;
	s0 =	simm.s32 @!p2 $0x0  }
0x16: {  	s3 =	sld [smem:$0x3FDB];
	s0 =	simm.s32 @p2 $0x1  }
0x17: {  	s4 =	simm.s32 $0x1BF5;
	[smem:$0x3FA7] =	sst s0  }
0x18: {  	s0 =	sld [smem:$0x3F8A];
	_ =	swait.ge [sflag:s4], $0x0  }
0x19: {  	s7 =	sld [smem:$0x3F8B]  }
0x1a: {  	s8 =	sadd.s32 $0xFFFFE003, lr  }
0x1b: {  	s9 =	sadd.s32 $0xFFFFFEF7, lr;
	s5 =	simm.s32 $0xFFFFFFFF;
	p2 =	slt.u32 s8, $0xFFFFF086  }
0x1c: {  	p1 =	slt.u32 s9, $0xF7A;
	s5 =	simm.s32 @!p2 $0x0  }
0x1d: {  	s5 =	simm.s32 @p1 $0x1;
	p0 =	seq.s32 s7, s2  }
0x1e: {  	s7 =	smul.u32 @!p0 $0xF7A, s2;
	p2 =	seq.s32 @!p0 s5, $0x0  }
0x1f: {  	s9 =	smul.u32 $0xF7A, s1;
	s8 =	simm.s32 @!p0 $0x1BF5;
	p2 =	por !p2, p0  }
0x20: {  	[sflag:s8] =	ssyncset.s32 @!p0 $0xFFFFF086;
	s6 =	sadd.s32 @!p0 s3, s7;
	s7 =	simm.s32 @!p0 $0x108  }
0x21: {  	s3 =	sadd.s32 s3, s9;
	s6 =	sadd.s32 @!p0 $0x88, s6;
	s7 =	simm.s32 @p2 $0x1082  }
0x22: {  	[simem:s7], [sflag:s8] =	dma.local @!p0 [hbm:s6], $0xF7A  }
0x23: {  	s9 =	sor.u32 $0xD0000000, s2;
	s6 =	simm.s32 $0x108;
	_ =	swait.ge @!p0 [sflag:s8], $0x0  }
0x24: {  	s3 =	sadd.s32 $0x88, s3;
	s6 =	simm.s32 @!p1 $0x1082;
	[sflag:s4] =	ssyncset.s32 $0xFFFFF086  }
0x25: {  	[simem:s6], [sflag:s4] =	dma.local [hbm:s3], $0xF7A  }
0x26: {  	[smem:$0x3F8B] =	sst s1;
	(tag) =	ssettag s2;
	_ =	strace s9  }
0x27: {  	s1 =	sld [smem:$0x3F9B]  }
0x28: {  	s2 =	sld [smem:$0x3F9C]  }
0x29: {  	s4 =	sld [smem:$0x3F9E]  }
0x2a: {  	p0 =	seq.s32 s5, $0x0;
	s5 =	sld [smem:$0x3F9F]  }
0x2b: {  	s6 =	sld [smem:$0x3FA0]  }
0x2c: {  	s7 =	sld [smem:$0x3FA1]  }
0x2d: {  	s3 =	simm.s32 $0x108;
	s8 =	sld [smem:$0x3FA2]  }
0x2e: {  	s3 =	simm.s32 @!p0 $0x1082;
	s9 =	sld [smem:$0x3FA3]  }
0x2f: {  	lr =	sadd.s32 s0, s3;
	s0 =	sld [smem:$0x3F9A]  }
0x30: {  	s3 =	sld [smem:$0x3F9D]  }
0x31: {  	[smem:$0x3FA6] =	sst s10  }
0x32: {  	s10 =	sld [smem:$0x3FA4];
	_ =	sdelay $0x3  }
0x33: {  	p0 =	seq.s32 s10, $0x1;
	s10 =	sld [smem:$0x3FA6];
	_ =	sdelay $0x3  }
0x34: {  	[smem:$0x3FA6] =	sst s10  }
0x35: {  	s10 =	sld [smem:$0x3FA5];
	_ =	sdelay $0x3  }
0x36: {  	p1 =	seq.s32 s10, $0x1;
	s10 =	sld [smem:$0x3FA6];
	_ =	sdelay $0x3  }
0x37: {  	[smem:$0x3FA6] =	sst s10  }
0x38: {  	s10 =	sld [smem:$0x3FA7]  }
0x39: {  	_ = 	snop;
	(pc) =	sbr.ind lr, $3  }
0x3a: {  	_ = 	snop  }
0x3b: {  	_ = 	snop  }
0x3c: {  	p2 =	seq.s32 s10, $0x1;
	s10 =	sld [smem:$0x3FA6]  }
0x3d: {  	_ =	shalt  }
0x3e: {  	_ =	shalt  }
0x3f: {  	_ =	shalt  }
0x40: {  	_ =	shalt  }
0x41: {  	_ =	shalt  }
0x42: {  	_ =	shalt  }
0x43: {  	_ =	shalt  }
0x44: {  	_ =	shalt  }
0x45: {  	_ =	shalt  }
0x46: {  	_ =	shalt  }
0x47: {  	_ =	shalt  }
0x48: {  	_ =	shalt  }
0x49: {  	_ =	shalt  }
0x4a: {  	_ =	shalt  }
0x4b: {  	_ =	shalt  }
0x4c: {  	_ =	shalt  }
0x4d: {  	_ =	shalt  }
0x4e: {  	_ =	shalt  }
0x4f: {  	_ =	shalt  }
0x50: {  	_ =	shalt  }
0x51: {  	_ =	shalt  }
0x52: {  	_ =	shalt  }
0x53: {  	_ =	shalt  }
0x54: {  	_ =	shalt  }
0x55: {  	_ =	shalt  }
0x56: {  	_ =	shalt  }
0x57: {  	_ =	shalt  }
0x58: {  	_ =	shalt  }
0x59: {  	_ =	shalt  }
0x5a: {  	_ =	shalt  }
0x5b: {  	_ =	shalt  }
0x5c: {  	_ =	shalt  }
0x5d: {  	_ =	shalt  }
0x5e: {  	_ =	shalt  }
0x5f: {  	_ =	shalt  }
0x60: {  	_ =	shalt  }
0x61: {  	_ =	shalt  }
0x62: {  	_ =	shalt  }
0x63: {  	_ =	shalt  }
0x64: {  	_ =	shalt  }
0x65: {  	_ =	shalt  }
0x66: {  	_ =	shalt  }
0x67: {  	_ =	shalt  }
0x68: {  	_ =	shalt  }
0x69: {  	_ =	shalt  }
0x6a: {  	_ =	shalt  }
0x6b: {  	_ =	shalt  }
0x6c: {  	_ =	shalt  }
0x6d: {  	_ =	shalt  }
0x6e: {  	_ =	shalt  }
0x6f: {  	_ =	shalt  }
0x70: {  	_ =	shalt  }
0x71: {  	_ =	shalt  }
0x72: {  	_ =	shalt  }
0x73: {  	_ =	shalt  }
0x74: {  	_ =	shalt  }
0x75: {  	_ =	shalt  }
0x76: {  	_ =	shalt  }
0x77: {  	_ =	shalt  }
0x78: {  	_ =	shalt  }
0x79: {  	_ =	shalt  }
0x7a: {  	_ =	shalt  }
0x7b: {  	_ =	shalt  }
0x7c: {  	_ =	shalt  }
0x7d: {  	_ =	shalt  }
0x7e: {  	_ =	shalt  }
0x7f: {  	_ =	shalt  }
0x80: {  	_ =	shalt  }
0x81: {  	_ =	shalt  }
0x82: {  	_ =	shalt  }
0x83: {  	_ =	shalt  }
0x84: {  	_ =	shalt  }
0x85: {  	_ =	shalt  }
0x86: {  	_ =	shalt  }
0x87: {  	_ =	shalt  }
.Lfunc_end0:
.L_simem_size_0:
called_computation_lowered:
.L_overlay_start_0:
0x88: {  	s2 =	sld [smem:$0x3FD9]  }
0x89: {  	s3 =	sld [smem:$0x3FFE];
	_ =	sdelay $0x1  }
0x8a: {  	s1 =	srdreg.scid  }
0x8b: {  	s0 =	sand.u32 $0x1, s1  }
0x8c: {  	s14 =	sshll.u32 s0, $0xA;
	s2 =	sadd.s32 s3, s2  }
0x8d: {  	s2 =	sadd.s32 s2, s14  }
0x8e: {  	[smem:$0x3FB2] =	sst s2  }
0x8f: {  	_ = 	snop  }
0x90: {  	s2 =	sld [smem:$0x3FD0];
	_ =	sdelay $0x2  }
0x91: {  	s4 =	simm.s32 $0xA;
	s5 =	simm.s32 $0x10;
	s15 =	sld [smem:$0x3FC8]  }
0x92: {  	[smem:s5], [sflag:s4] =	dma.local [hbm:s2], $0x1  }
0x93: {  	_ =	swait.eq [sflag:s4], $0x1  }
0x94: {  	[sflag:s4] =	ssyncset.done $0x0  }
0x95: {  	[sflag:s4] =	ssyncadd.s32 $0xFFFFFFFF  }
0x96: {  	s16 =	sld [smem:$0x11];
	(tm) =	ssettm $0x1  }
0x97: {  	s17 =	sld [smem:$0x3FFB];
	_ =	sdelay $0x3  }
0x98: {  	_ =	strace s17  }
0x99: {  	s4 =	sld [smem:$0x3FFC];
	_ =	sdelay $0x3  }
0x9a: {  	_ =	strace s4  }
0x9b: {  	s4 =	sld [smem:$0x3FFD];
	_ =	sdelay $0x3  }
0x9c: {  	_ =	strace s4  }
0x9d: {  	_ =	strace $0x8FFFFFFF  }
0x9e: {  	s18 =	sld [smem:$0x3FDB];
	_ =	sdelay $0x1  }
0x9f: {  	s19 =	simm.s32 $_scs_section_size  }
0xa0: {  	s6 =	simm.s32 $_size__tile_overlayer_lowered;
	s7 =	simm.s32 $_tile_overlayer_lowered  }
0xa1: {  	s22 =	simm.s32 $0x1BFF;
	s21 =	sshll.u32 s7, $0x1;
	s4 =	sadd.s32 s19, s18  }
0xa2: {  	s8 =	simm.s32 $0x0;
	s20 =	sshll.u32 s6, $0x1;
	s6 =	sadd.s32 s21, s4  }
0xa3: {  	[timem:s8], [sflag:s22] =	dma.local [hbm:s6], s20  }
0xa4: {  	_ =	swait.ge [sflag:s22], s20  }
0xa5: {  	s5 =	ssub.s32 $0x0, s20;
	[sflag:s22] =	ssyncset.done $0x0  }
0xa6: {  	[sflag:s22] =	ssyncadd.s32 s5;
	_ =	sdelay $0x1  }
0xa7: {  	s23 =	simm.s32 $0x1B8B  }
0xa8: {  	_ =	swait.ge [sflag:s23], $0x1  }
0xa9: {  	[sflag:s23] =	ssyncset.done $0x0  }
0xaa: {  	s25 =	simm.s32 $0x1B8E;
	s24 =	sld [smem:$0x3FFE];
	[sflag:s23] =	ssyncadd.s32 $0xFFFFFFFF  }
0xab: {  	s26 =	simm.s32 $execute0_lowered;
	[smem:$0x3FD2] =	sst s25  }
0xac: {  	s6 =	sshll.u32 s26, $0x1;
	_ =	strace $0x80000046;
	[dreg:$0x1] =	wrdreg $0xFFFFFFFF  }
0xad: {  	s28 =	simm.s32 $_size_execute0_lowered;
	s4 =	sadd.s32 s4, s6;
	[dreg:$0x0] =	wrdreg $0x0  }
0xae: {  	s6 =	sshll.u32 s28, $0x1;
	[dreg:$0x2] =	wrdreg s4  }
0xaf: {  	[dreg:$0x3] =	wrdreg s6  }
0xb0: {  	[dreg:$0x4] =	wrdreg $0xC0  }
0xb1: {  	_ =	task [dreg:s8], $0x5FFFF  }
0xb2: {  	[dreg:$0x1] =	wrdreg $0xFFFFFFFF  }
0xb3: {  	[dreg:$0x0] =	wrdreg $0x60  }
0xb4: {  	[dreg:$0x2] =	wrdreg s15  }
0xb5: {  	[dreg:$0x3] =	wrdreg s16  }
0xb6: {  	[dreg:$0x4] =	wrdreg s24  }
0xb7: {  	[dreg:$0x5] =	wrdreg $0x9  }
0xb8: {  	_ =	task.clear_ibuf [dreg:s8], $0x6FFFF;
	_ =	strace $0x90000046  }
0xb9: {  	s29 =	simm.s32 $0x9;
	_ =	strace $0x80000048  }
0xba: {  	_ =	swait.ge [sflag:s29], $0x1  }
0xbb: {  	[sflag:s29] =	ssyncadd.s32 $0xFFFFFFFF  }
0xbc: {  	_ =	strace $0x90000048  }
0xbd: {  	_ =	sfence  }
0xbe: {  	s30 =	sld [smem:$0x0];
	_ =	sdelay $0x2  }
0xbf: {  	s31 =	sshll.u32 s1, $0xD;
	s1 =	sshrl.u32 s1, $0x2  }
0xc0: {  	s3 =	sand.u32 $0x4000, s31;
	s1 =	sadd.s32 s1, s30  }
0xc1: {  	s0 =	sor.u32 s3, s0;
	s1 =	sshll.u32 s1, $0x11  }
0xc2: {  	s0 =	sor.u32 s1, s0  }
0xc3: {  	s0 =	sadd.s32 $0x8F2B, s0  }
0xc4: {  	[sflag:s0] =	ssyncadd.remote.s32 $0x1  }
0xc5: {  	_ =	sfence.sel $0xFFFF  }
0xc6: {  	[dreg:$0x0] =	wrdreg $0xFFFFFFFF;
	(pc) =	sbr.abs _section_cstart, $3  }
0xc7: {  	[dreg:$0x1] =	wrdreg $0xFFFFFFFF  }
0xc8: {  	_ =	task.clear_ibuf [dreg:s8], $0x2FFFF;
	_ =	strace $0x9FFFFFFF  }
0xc9: {  	(tm) =	ssettm $0x7FFFFFFF  }
tec
execute0_lowered:
.L_overlay_start_1:
0x0: {  	(tag) =	ssettag $0x1  }
0x1: {  	s2 =	rddreg [dreg:$0x0]  }
0x2: {  	s3 =	rddreg [dreg:$0x1]  }
0x3: {  	s4 =	rddreg [dreg:$0x2]  }
0x4: {  	s0 =	rddreg [dreg:$0x3];
	s1 =	srdreg.scid  }
0x5: {  	_ =	strace $0x80000047;
	s5 =	simm.s32 $0x1;
	s6 =	sshll.u32 s1, $0x4  }
.Ltmp0:
0x6: {  	s1 =	stileid.u32;
	s6 =	sand.u32 $0x10, s6;
	(pc) =	sbr.rel .LBB2_1-.Ltmp0, $4  }
0x7: {  	s9 =	simm.s32 $0x3;
	s11 =	simm.s32 $0x0;
	s7 =	sor.u32 s1, s6  }
0x8: {  	[sflag:s5] =	ssyncpa.u1 $0x0;
	s6 =	simm.s32 $0x2;
	s7 =	sshll.u32 s7, $0x7  }
0x9: {  	p0 =	por $0x0, $0x0;
	[sflag:s6] =	ssyncpa.u1 $0x0;
	s8 =	sadd.s32 $0x80, s7  }
0xa: {  	vm0 =	vmmov $0xff;
	vm1 =	vcmask $0x3F20;
	[sflag:s9] =	ssyncpa.u1 $0x0;
	s10 =	smov.u32 s7;
	s9 =	simm.s32 $0x0  }
.LBB2_9:
0xb: {  	p1 =	slt.u32 s9, $0x2;
	s11 =	sadd.s32 $0x20, s10  }
0xc: {  	s13 =	smov.u32 s7;
	s9 =	sadd.s32 $0x1, s9;
	p2 =	slt.s32 s11, s8  }
0xd: {  	s13 =	smov.u32 @p2 s11;
	p2 =	sne.s32 s9, $0x6  }
.Ltmp1:
0xe: {  	_ = 	snop;
	(pc) =	sbr.rel @!p2 .LBB2_10-.Ltmp1, $4  }
0xf: {  	s12 =	simm.s32 @!p1 $0x3  }
0x10: {  	_ =	swait.ge @!p1 [sflag:s12], $0x8000  }
0x11: {  	p0 =	por !p0, !p0;
	[sflag:s12] =	ssyncset.done @!p1 $0x0  }
0x12: {  	s11 =	smov.u32 s10;
	s10 =	smov.u32 s13;
	[sflag:s12] =	ssyncadd.s32 @!p1 $0xFFFF8000  }
.LBB2_1:
0x13: {  	p1 =	sgt.u32 s9, $0x3  }
0x14: {  	s12 =	sxor.u32 @!p1 $0xFFFFFFFF, s9  }
0x15: {  	s13 =	sshrl.u32 @!p1 s10, $0x3;
	s12 =	sshll.u32 @!p1 s12, $0x5  }
0x16: {  	s14 =	sand.u32 @!p1 $0x7, s10;
	s13 =	sadd.s32 @!p1 s3, s13;
	s12 =	sand.u32 @!p1 $0x20, s12  }
0x17: {  	[tilespmem:s12], [sflag:$0x2] =	stream.linear.gather @!p1 [hbm4b:s13+s14], $0x20, $0x38;
	[tilespmem:$0x10040] =	vst v63  }
0x18: {  	p1 =	seq.s32 s9, $0x0  }
0x19: {  	p2 =	seq.s32 @!p1 s9, $0x5  }
0x1a: {  	p1 =	por p1, p2  }
.Ltmp2:
0x1b: {  	_ = 	snop;
	(pc) =	sbr.rel @p1 .LBB2_9-.Ltmp2, $1  }
0x1c: {  	_ =	sdelay $0x3  }
0x1d: {  	s12 =	simm.s32 $0x1  }
0x1e: {  	_ =	swait.ge [sflag:s6], $0x20;
	s13 =	sand.u32 $0x1, s9;
	s12 =	simm.s32 @!p0 $0x0  }
0x1f: {  	s15 =	simm.s32 $0x0;
	p2 =	por $0x1, $0x1;
	s12 =	sshll.u32 s12, $0x11  }
0x20: {  	[sflag:s6] =	ssyncset.done $0x0;
	s13 =	sshll.u32 s13, $0x5;
	s14 =	sshrl.u32 s12, $0x2  }
0x21: {  	[sflag:s6] =	ssyncadd.s32 $0xFFFFFFE0;
	s12 =	sor.u32 $0x40, s14;
	s14 =	sadd.s32 $0x40, s14  }
.LBB2_3:
0x22: {  	s16 =	sshll.u32 s15, $0x4  }
0x23: {  	s16 =	sand.u32 $0x3FFFFFF0, s16  }
0x24: {  	s16 =	sadd.s32 s16, s13  }
0x25: {  	v0 =	vld.msk [tilespmem:s16+$0x0 ss:$0x1], $0xffff;
	_ =	sdelay $0x4  }
0x26: {  	vm2 =	vgt.s32 v0, $0x0  }
0x27: {  	v0 =	vnsel vm2, $0x0, v0  }
0x28: {  	v0 =	vmin.u32 v0, $0x3FFF  }
0x29: {  	v1 =	vshll.u32 v0, $0x7;
	v0 =	vshll.u32 v0, $0x4  }
0x2a: {  	v1 =	vand.u32 $0x1FFC00, v1;
	v0 =	vand.u32 $0x70, v0  }
0x2b: {  	v0 =	vor.u32 v0, v1  }
0x2c: {  	s31 =	sshll.u32 s15, $0x10  }
0x2d: {  	s15 =	sshra.s32 s31, $0x2  }
0x2e: {  	s15 =	sadd.s32 s15, s14  }
0x2f: {  	s17 =	sadd.s32 $0x0, s15  }
0x30: {  	[tilespmem:s17], [sflag:$0x1] =	stream.indirect_vreg.gather [hbm:s2], $0x80, v0, vm0, $0x38;
	[tilespmem:$0x10040] =	vst v63  }
0x31: {  	p1 =	por p2, p2;
	s16 =	simm.s32 $0x1000;
	v1 =	vadd.s32 $0x80, v0;
	s17 =	sadd.s32 $0x2000, s17  }
.LBB2_4:
0x32: {  	[tilespmem:s17], [sflag:$0x1] =	stream.indirect_vreg.gather [hbm:s2], $0x80, v0, vm1, $0x38;
	[tilespmem:$0x10040] =	vst v63  }
0x33: {  	v0 =	vmov v1;
	s17 =	smov.u32 s16;
	p2 =	sne.s32 s16, $0x7000  }
.Ltmp3:
0x34: {  	s16 =	sadd.s32 $0x1000, s16;
	(pc) =	sbr.rel @p2 .LBB2_4-.Ltmp3, $4  }
0x35: {  	s17 =	sshra.s32 s17, $0x2  }
0x36: {  	s17 =	sadd.s32 s17, s15  }
0x37: {  	[tilespmem:s17], [sflag:$0x1] =	stream.indirect_vreg.gather [hbm:s2], $0x80, v1, vm0, $0x38;
	[tilespmem:$0x10040] =	vst v63  }
0x38: {  	s17 =	sadd.s32 $0x2000, s17;
	v1 =	vadd.s32 $0x80, v1  }
0x39: {  	_ = 	snop  }
.Ltmp4:
0x3a: {  	_ = 	snop;
	(pc) =	sbr.rel @p1 .LBB2_3-.Ltmp4, $3  }
0x3b: {  	_ =	sdelay $0x1  }
0x3c: {  	[tilespmem:s17], [sflag:$0x1] =	stream.indirect_vreg.gather [hbm:s2], $0x80, v0, vm1, $0x38;
	[tilespmem:$0x10040] =	vst v63  }
0x3d: {  	s15 =	simm.s32 $0x1;
	p2 =	por $0x0, $0x0  }
0x3e: {  	s13 =	sshll.u32 s11, $0x7  }
0x3f: {  	s31 =	sshll.u32 s11, $0x4;
	s13 =	sand.u32 $0xFFFFFC00, s13  }
0x40: {  	_ =	swait.ge [sflag:s5], $0x8000;
	s11 =	sand.u32 $0x70, s31;
	s13 =	sadd.s32 s13, s4  }
0x41: {  	s14 =	sadd.s32 $0x2000, s12;
	[sflag:s5] =	ssyncset.done $0x0;
	s11 =	sadd.s32 s11, s13  }
0x42: {  	[sflag:s5] =	ssyncadd.s32 $0xFFFF8000;
	s13 =	simm.s32 $0x400;
	s15 =	sadd.s32 $0x0, s11  }
.LBB2_7:
0x43: {  	[hbm:s15] =	stream.linear.scatter [tilespmem:s12], [sflag:$0x3], $0x2000, $0x38;
	[tilespmem:$0x10040] =	vst v63  }
0x44: {  	s15 =	smov.u32 s13;
	s12 =	smov.u32 s14;
	p1 =	sne.s32 s13, $0xC00  }
.Ltmp5:
0x45: {  	s13 =	sadd.s32 $0x400, s13;
	(pc) =	sbr.rel @p1 .LBB2_7-.Ltmp5, $2  }
0x46: {  	_ =	sdelay $0x2  }
0x47: {  	s14 =	sadd.s32 $0x2000, s14;
	s15 =	sadd.s32 s15, s11  }
.Ltmp6:
0x48: {  	(pc) =	sbr.rel .LBB2_9-.Ltmp6, $2  }
0x49: {  	_ =	sdelay $0x2  }
0x4a: {  	[hbm:s15] =	stream.linear.scatter [tilespmem:s12], [sflag:$0x3], $0x2000, $0x38;
	[tilespmem:$0x10040] =	vst v63  }
.LBB2_10:
0x4b: {  	_ =	sfence.sel $0x180000  }
0x4c: {  	s2 =	simm.s32 $0x2;
	[bflag:$0x0] =	sbarrier.arrive $0xFFFF  }
0x4d: {  	s30 =	simm.s32 $0x3;
	[sflag:s2] =	ssyncpa.u1 $0x1  }
0x4e: {  	s31 =	simm.s32 $0x1;
	[sflag:s30] =	ssyncpa.u1 $0x1  }
0x4f: {  	[sflag:s31] =	ssyncpa.u1 $0x1  }
0x50: {  	p0 =	sne.s32 s1, $0x0;
	_ =	strace $0x90000047  }
0x51: {  	s0 =	sadd.s32 @!p0 $0x100000, s0;
	[bflag:$0x2] =	sbarrier.arrive $0xFFFF  }
0x52: {  	[sflag:s0] =	ssyncadd.tile.s32 @!p0 $0x1;
	_ =	shalt  }
.Lfunc_end2:
_tile_overlayer_lowered:
.L_overlay_start_2:
0x53: {  	(tag) =	ssettag $0x2  }
0x54: {  	s0 =	rddreg [dreg:$0x0];
	s2 =	stileid.u32  }
0x55: {  	s1 =	rddreg [dreg:$0x1];
	p0 =	sne.s32 s2, $0x0  }
0x56: {  	s3 =	rddreg [dreg:$0x2];
	[bflag:$0x3] =	sbarrier.arrive $0xFFFF;
	s2 =	simm.s32 @!p0 $0x1C01  }
0x57: {  	[timem:s3], [sflag:s2] =	dma.local @!p0 [hbm:s0], s1  }
0x58: {  	s0 =	simm.s32 @!p0 $0x1  }
0x59: {  	_ =	swait.ge @!p0 [sflag:s0], s1  }
0x5a: {  	s1 =	ssub.s32 @!p0 $0x0, s1;
	[sflag:s0] =	ssyncset.done @!p0 $0x0  }
0x5b: {  	[sflag:s0] =	ssyncadd.s32 @!p0 s1  }
0x5c: {  	[bflag:$0x3] =	sbarrier.arrive $0xFFFF  }
0x5d: {  	_ =	shalt  }

</sc_bundles>
